<compile_context>
chip_gen: v7x
topology: tpu7x:2x2x1
jax: 0.10.2.dev20260603
libtpu: 0.0.44.dev20260713+nightly
codegen_flags: <defaults>
</compile_context>

<pallas_src>
import jax
import jax.numpy as jnp
from jax import lax
from jax.experimental import pallas as pl
from jax.experimental.pallas import tpu as pltpu
from jax.experimental.pallas import tpu_sc as plsc

_CH = 128
_NW = 32
_SC_SEGS = 2


def _sc_body(x_hbm, w_hbm, xw_hbm, z_hbm, wbuf, buf, obuf, sems):
    wid = lax.axis_index("s") * 2 + lax.axis_index("c")
    pltpu.sync_copy(w_hbm, wbuf)
    ws = [wbuf[pl.ds(16 * k, 16)] for k in range(8)]
    cpw = x_hbm.shape[0] // _NW
    base = wid * cpw

    def cp(ch):
        return pltpu.make_async_copy(
            x_hbm.at[base + ch], buf.at[ch % 2], sems.at[ch % 2])

    cp(0).start()
    iota = lax.iota(jnp.int32, 16)
    bfly = [jnp.bitwise_xor(iota, jnp.int32(d)) for d in (8, 4, 2, 1)]
    carry = tuple(jnp.zeros((16,), jnp.float32) for _ in range(9))
    for ch in range(cpw):
        cp(ch).wait()
        if ch + 1 < cpw:
            cp(ch + 1).start()
        bref = buf.at[ch % 2]

        def row_body(r, c, bref=bref):
            off = r * 128
            xs = [bref[pl.ds(off + 16 * k, 16)] for k in range(8)]
            p = xs[0] * ws[0]
            for k in range(1, 8):
                p = p + xs[k] * ws[k]
            for idx in bfly:
                p = p + lax.gather(
                    p, idx[:, None],
                    lax.GatherDimensionNumbers(
                        offset_dims=(), collapsed_slice_dims=(0,),
                        start_index_map=(0,)),
                    slice_sizes=(1,),
                    mode=lax.GatherScatterMode.PROMISE_IN_BOUNDS)
            e = jnp.exp(p)
            return tuple(c[k] + e * xs[k] for k in range(8)) + (c[8] + e,)

        carry = lax.fori_loop(0, _CH, row_body, carry)
    for k in range(8):
        obuf[pl.ds(16 * k, 16)] = carry[k]
    for k in range(8):
        obuf[pl.ds(128 + 16 * k, 16)] = carry[8]
    pltpu.sync_copy(obuf.at[pl.ds(0, 128)], xw_hbm.at[wid])
    pltpu.sync_copy(obuf.at[pl.ds(128, 128)], z_hbm.at[wid])


def _merge_body(xw_ref, z_ref, wproj_ref, bproj_ref, out_ref):
    wps = _NW // _SC_SEGS
    xw3 = xw_ref[...].reshape(_SC_SEGS, wps, 128)
    xws = jnp.sum(xw3, axis=1)
    zc = jnp.sum(z_ref[...][:, 0:1].reshape(_SC_SEGS, wps), axis=1,
                 keepdims=True)
    out = lax.dot_general(xws, wproj_ref[...], (((1,), (1,)), ((), ())),
                          preferred_element_type=jnp.float32)
    out_ref[...] = out / zc + bproj_ref[...]


def _tc_body(x_ref, wscore_ref, wproj_ref, bproj_ref, out_ref):
    xb = x_ref[0]
    s_row = lax.dot_general(wscore_ref[...], xb, (((1,), (1,)), ((), ())),
                            preferred_element_type=jnp.float32)
    e_row = jnp.exp(s_row)
    z = jnp.sum(e_row)
    xw = jnp.dot(e_row, xb, preferred_element_type=jnp.float32)
    out = lax.dot_general(xw, wproj_ref[...], (((1,), (1,)), ((), ())),
                          preferred_element_type=jnp.float32)
    out_ref[0, :, :] = out / z + bproj_ref[...]


def kernel(x_list, edge_list, W_proj, b_proj, W_score, b_score):
    n, m, c = x_list.shape
    o = W_proj.shape[0]
    tc_segs = n - _SC_SEGS
    b_proj2 = b_proj.reshape(1, o)
    w_vec = W_score.reshape(c)

    sc_fn = pl.kernel(
        _sc_body,
        out_type=[
            jax.ShapeDtypeStruct((_NW, c), jnp.float32),
            jax.ShapeDtypeStruct((_NW, 128), jnp.float32),
        ],
        mesh=plsc.VectorSubcoreMesh(core_axis_name="c", subcore_axis_name="s"),
        scratch_types=[
            pltpu.VMEM((c,), jnp.float32),
            pltpu.VMEM((2, _CH * c), jnp.float32),
            pltpu.VMEM((256,), jnp.float32),
            pltpu.SemaphoreType.DMA((2,)),
        ],
    )
    x_sc = x_list[tc_segs:].reshape(-1, _CH * c)
    xw32, z32 = sc_fn(x_sc, w_vec)

    out_tc = pl.pallas_call(
        _tc_body,
        grid=(tc_segs,),
        in_specs=[
            pl.BlockSpec((1, m, c), lambda i: (i, 0, 0)),
            pl.BlockSpec((1, c), lambda i: (0, 0)),
            pl.BlockSpec((o, c), lambda i: (0, 0)),
            pl.BlockSpec((1, o), lambda i: (0, 0)),
        ],
        out_specs=pl.BlockSpec((1, 1, o), lambda i: (i, 0, 0)),
        out_shape=jax.ShapeDtypeStruct((tc_segs, 1, o), jnp.float32),
    )(x_list[:tc_segs], W_score, W_proj, b_proj2)

    out_sc = pl.pallas_call(
        _merge_body,
        in_specs=[
            pl.BlockSpec((_NW, c), lambda: (0, 0)),
            pl.BlockSpec((_NW, 128), lambda: (0, 0)),
            pl.BlockSpec((o, c), lambda: (0, 0)),
            pl.BlockSpec((1, o), lambda: (0, 0)),
        ],
        out_specs=pl.BlockSpec((_SC_SEGS, o), lambda: (0, 0)),
        out_shape=jax.ShapeDtypeStruct((_SC_SEGS, o), jnp.float32),
    )(xw32, z32, W_proj, b_proj2)

    return jnp.concatenate([out_tc.reshape(tc_segs, o), out_sc], axis=0)

# --- scband reference (transcript-rebuilt; emitter-appended) ---
"""Pipeline reference for scband-fast-flex-add-attention-41248865911339 (READ-ONLY COPY).

The authoritative reference and input builder live on the scoring server;
editing this copy changes nothing except your own understanding.
"""

import jax, jax.numpy as jnp
import numpy as np

N, M, C, O = 16, 2048, 128, 128

def setup_inputs(seed: int = 0) -> dict:
    key = jax.random.key(seed)
    ks = jax.random.split(key, 5)
    x_list = jax.random.normal(ks[0], (N, M, C), dtype=jnp.float32)
    edge_list = jnp.zeros((N, 4, 2), dtype=jnp.int32)  # unused in softmax branch
    W_proj = jax.random.normal(ks[1], (O, C), dtype=jnp.float32) / np.sqrt(C)
    b_proj = jax.random.normal(ks[2], (O,), dtype=jnp.float32) * 0.01
    W_score = jax.random.normal(ks[3], (1, C), dtype=jnp.float32) / np.sqrt(C)
    b_score = jax.random.normal(ks[4], (1,), dtype=jnp.float32) * 0.01
    return {"x_list": x_list, "edge_list": edge_list, "W_proj": W_proj, "b_proj": b_proj, "W_score": W_score, "b_score": b_score}

def reference(x_list, edge_list, W_proj, b_proj, W_score, b_score):
    n, m, c = x_list.shape
    # x_concat = torch.cat(x_list, dim=0)
    x_concat = x_list.reshape(n * m, c)
    # proj_x = self.proj_func(x_concat)
    proj_x = x_concat @ W_proj.T + b_proj  # [n*m, O]
    # score_x = self.score_func(x_concat).squeeze() ; query_size < 1 so no q concat
    score_x = (x_concat @ W_score.T + b_score)[:, 0]  # [n*m]
    # per-segment softmax over each x_list[i]'s scores (maxList with softmax)
    scores = score_x.reshape(n, m)
    weights = jax.nn.softmax(scores, axis=-1)  # [n, m]
    # output_list[i] = sum_j proj_x[seg_i][j] * w[j] ; then stack
    out = jnp.sum(proj_x.reshape(n, m, -1) * weights[:, :, None], axis=1)  # [n, O]
    return out

if __name__ == "__main__":
    import jax
    _d = setup_inputs()
    print(jax.jit(kernel)(*tuple(_d.values())))

</pallas_src>

<mosaic_0001>
#map = affine_map<(d0, d1) -> (0, 0)>
#map1 = affine_map<(d0, d1) -> (0)>
module attributes {stable_mosaic.version = 14 : i64} {
  func.func @_sc_body(%arg0: i32, %arg1: i32, %arg2: memref<32x16384xf32, #tpu.memory_space<hbm>>, %arg3: memref<128xf32, #tpu.memory_space<hbm>>, %arg4: memref<32x128xf32, #tpu.memory_space<hbm>>, %arg5: memref<32x128xf32, #tpu.memory_space<hbm>>, %arg6: memref<128xf32, #tpu.memory_space<vmem>>, %arg7: memref<2x16384xf32, #tpu.memory_space<vmem>>, %arg8: memref<256xf32, #tpu.memory_space<vmem>>, %arg9: memref<2x!tpu.dma_semaphore, #tpu.memory_space<semaphore_mem>>) attributes {dimension_semantics = [#tpu.dimension_semantics<core_parallel>, #tpu.dimension_semantics<subcore_parallel>], iteration_bounds = array<i64: 2, 16>, scalar_prefetch = 0 : i64, scratch_operands = 4 : i64, tpu.core_type = #tpu.core_type<sc_vector_subcore>, window_params = [{transform_indices = #map}, {transform_indices = #map1}, {transform_indices = #map}, {transform_indices = #map}]} {
    %mul3A = arith.constant 2 : i32
    %mul3A_0 = arith.muli %arg1, %mul3A : i32
    %add3A = arith.addi %mul3A_0, %arg0 : i32
    "tpu.region"() ({
      %run_scoped3A = tpu.sem_alloc : memref<!tpu.dma_semaphore, #tpu.memory_space<semaphore_mem>>
      tpu.enqueue_dma source(%arg3 : memref<128xf32, #tpu.memory_space<hbm>>) target(%arg6 : memref<128xf32, #tpu.memory_space<vmem>>) target_semaphore(%run_scoped3A : memref<!tpu.dma_semaphore, #tpu.memory_space<semaphore_mem>>)
      tpu.wait_dma2 semaphore(%run_scoped3A : memref<!tpu.dma_semaphore, #tpu.memory_space<semaphore_mem>>) src(%arg3 : memref<128xf32, #tpu.memory_space<hbm>>) dst(%arg6 : memref<128xf32, #tpu.memory_space<vmem>>)
      tpu.yield
    }) : () -> ()
    %get3A = arith.constant 0 : index
    %get3A_1 = tpu.vector_load %arg6[%get3A] {strides = array<i32>} : memref<128xf32, #tpu.memory_space<vmem>>, vector<16xf32>,
    %get3A_2 = vector.shape_cast %get3A_1 : vector<16xf32> to vector<16xf32>
    %get3A_3 = arith.constant 16 : index
    %get3A_4 = tpu.vector_load %arg6[%get3A_3] {strides = array<i32>} : memref<128xf32, #tpu.memory_space<vmem>>, vector<16xf32>,
    %get3A_5 = vector.shape_cast %get3A_4 : vector<16xf32> to vector<16xf32>
    %get3A_6 = arith.constant 32 : index
    %get3A_7 = tpu.vector_load %arg6[%get3A_6] {strides = array<i32>} : memref<128xf32, #tpu.memory_space<vmem>>, vector<16xf32>,
    %get3A_8 = vector.shape_cast %get3A_7 : vector<16xf32> to vector<16xf32>
    %get3A_9 = arith.constant 48 : index
    %get3A_10 = tpu.vector_load %arg6[%get3A_9] {strides = array<i32>} : memref<128xf32, #tpu.memory_space<vmem>>, vector<16xf32>,
    %get3A_11 = vector.shape_cast %get3A_10 : vector<16xf32> to vector<16xf32>
    %get3A_12 = arith.constant 64 : index
    %get3A_13 = tpu.vector_load %arg6[%get3A_12] {strides = array<i32>} : memref<128xf32, #tpu.memory_space<vmem>>, vector<16xf32>,
    %get3A_14 = vector.shape_cast %get3A_13 : vector<16xf32> to vector<16xf32>
    %get3A_15 = arith.constant 80 : index
    %get3A_16 = tpu.vector_load %arg6[%get3A_15] {strides = array<i32>} : memref<128xf32, #tpu.memory_space<vmem>>, vector<16xf32>,
    %get3A_17 = vector.shape_cast %get3A_16 : vector<16xf32> to vector<16xf32>
    %get3A_18 = arith.constant 96 : index
    %get3A_19 = tpu.vector_load %arg6[%get3A_18] {strides = array<i32>} : memref<128xf32, #tpu.memory_space<vmem>>, vector<16xf32>,
    %get3A_20 = vector.shape_cast %get3A_19 : vector<16xf32> to vector<16xf32>
    %get3A_21 = arith.constant 112 : index
    %get3A_22 = tpu.vector_load %arg6[%get3A_21] {strides = array<i32>} : memref<128xf32, #tpu.memory_space<vmem>>, vector<16xf32>,
    %get3A_23 = vector.shape_cast %get3A_22 : vector<16xf32> to vector<16xf32>
    %mul3A_24 = arith.constant 1 : i32
    %mul3A_25 = arith.muli %add3A, %mul3A_24 : i32
    %add3A_26 = arith.constant 0 : i32
    %add3A_27 = arith.addi %mul3A_25, %add3A_26 : i32
    %dma_start3A = arith.constant 0 : i32
    %dma_start3A_28 = arith.constant 0 : i32
    %dma_start3A_29 = arith.constant 0 : i32
    %dma_start3A_30 = tpu.memref_slice %arg7[%dma_start3A, %dma_start3A_29] : memref<2x16384xf32, #tpu.memory_space<vmem>> -> memref<1x16384xf32, #tpu.memory_space<vmem>>
    %dma_start3A_31 = tpu.memref_squeeze %dma_start3A_30 : memref<1x16384xf32, #tpu.memory_space<vmem>> -> memref<16384xf32, #tpu.memory_space<vmem>>
    %dma_start3A_32 = arith.constant 0 : i32
    %dma_start3A_33 = tpu.memref_slice %arg2[%add3A_27, %dma_start3A_32] : memref<32x16384xf32, #tpu.memory_space<hbm>> -> memref<1x16384xf32, #tpu.memory_space<hbm>>
    %dma_start3A_34 = tpu.memref_squeeze %dma_start3A_33 : memref<1x16384xf32, #tpu.memory_space<hbm>> -> memref<16384xf32, #tpu.memory_space<hbm>>
    %dma_start3A_35 = tpu.memref_slice %arg9[%dma_start3A_28] : memref<2x!tpu.dma_semaphore, #tpu.memory_space<semaphore_mem>> -> memref<1x!tpu.dma_semaphore, #tpu.memory_space<semaphore_mem>>
    %dma_start3A_36 = tpu.memref_squeeze %dma_start3A_35 : memref<1x!tpu.dma_semaphore, #tpu.memory_space<semaphore_mem>> -> memref<!tpu.dma_semaphore, #tpu.memory_space<semaphore_mem>>
    %dma_start3A_37 = arith.constant 0 : i32
    %dma_start3A_38 = tpu.memref_slice %arg7[%dma_start3A, %dma_start3A_37] : memref<2x16384xf32, #tpu.memory_space<vmem>> -> memref<1x16384xf32, #tpu.memory_space<vmem>>
    %dma_start3A_39 = tpu.memref_squeeze %dma_start3A_38 : memref<1x16384xf32, #tpu.memory_space<vmem>> -> memref<16384xf32, #tpu.memory_space<vmem>>
    %dma_start3A_40 = arith.constant 0 : i32
    %dma_start3A_41 = tpu.memref_slice %arg2[%add3A_27, %dma_start3A_40] : memref<32x16384xf32, #tpu.memory_space<hbm>> -> memref<1x16384xf32, #tpu.memory_space<hbm>>
    %dma_start3A_42 = tpu.memref_squeeze %dma_start3A_41 : memref<1x16384xf32, #tpu.memory_space<hbm>> -> memref<16384xf32, #tpu.memory_space<hbm>>
    tpu.enqueue_dma source(%dma_start3A_42 : memref<16384xf32, #tpu.memory_space<hbm>>) target(%dma_start3A_39 : memref<16384xf32, #tpu.memory_space<vmem>>) target_semaphore(%dma_start3A_36 : memref<!tpu.dma_semaphore, #tpu.memory_space<semaphore_mem>>)
    %iota3A = tpu.iota {dimensions = array<i32: 0>} : vector<16xi32>
    %xor3A = arith.constant 8 : i32
    %xor3A_43 = vector.broadcast %xor3A : i32 to vector<16xi32>
    %xor3A_44 = arith.xori %iota3A, %xor3A_43 : vector<16xi32>
    %xor3A_45 = arith.constant 4 : i32
    %xor3A_46 = vector.broadcast %xor3A_45 : i32 to vector<16xi32>
    %xor3A_47 = arith.xori %iota3A, %xor3A_46 : vector<16xi32>
    %xor3A_48 = arith.constant 2 : i32
    %xor3A_49 = vector.broadcast %xor3A_48 : i32 to vector<16xi32>
    %xor3A_50 = arith.xori %iota3A, %xor3A_49 : vector<16xi32>
    %xor3A_51 = arith.constant 1 : i32
    %xor3A_52 = vector.broadcast %xor3A_51 : i32 to vector<16xi32>
    %xor3A_53 = arith.xori %iota3A, %xor3A_52 : vector<16xi32>
    %broadcast_in_dim3A = arith.constant 0.000000e+00 : f32
    %broadcast_in_dim3A_54 = vector.broadcast %broadcast_in_dim3A : f32 to vector<16xf32>
    %broadcast_in_dim3A_55 = arith.constant 0.000000e+00 : f32
    %broadcast_in_dim3A_56 = vector.broadcast %broadcast_in_dim3A_55 : f32 to vector<16xf32>
    %broadcast_in_dim3A_57 = arith.constant 0.000000e+00 : f32
    %broadcast_in_dim3A_58 = vector.broadcast %broadcast_in_dim3A_57 : f32 to vector<16xf32>
    %broadcast_in_dim3A_59 = arith.constant 0.000000e+00 : f32
    %broadcast_in_dim3A_60 = vector.broadcast %broadcast_in_dim3A_59 : f32 to vector<16xf32>
    %broadcast_in_dim3A_61 = arith.constant 0.000000e+00 : f32
    %broadcast_in_dim3A_62 = vector.broadcast %broadcast_in_dim3A_61 : f32 to vector<16xf32>
    %broadcast_in_dim3A_63 = arith.constant 0.000000e+00 : f32
    %broadcast_in_dim3A_64 = vector.broadcast %broadcast_in_dim3A_63 : f32 to vector<16xf32>
    %broadcast_in_dim3A_65 = arith.constant 0.000000e+00 : f32
    %broadcast_in_dim3A_66 = vector.broadcast %broadcast_in_dim3A_65 : f32 to vector<16xf32>
    %broadcast_in_dim3A_67 = arith.constant 0.000000e+00 : f32
    %broadcast_in_dim3A_68 = vector.broadcast %broadcast_in_dim3A_67 : f32 to vector<16xf32>
    %broadcast_in_dim3A_69 = arith.constant 0.000000e+00 : f32
    %broadcast_in_dim3A_70 = vector.broadcast %broadcast_in_dim3A_69 : f32 to vector<16xf32>
    %add3A_71 = arith.constant 0 : i32
    %add3A_72 = arith.addi %mul3A_25, %add3A_71 : i32
    %dma_wait3A = arith.constant 0 : i32
    %dma_wait3A_73 = arith.constant 0 : i32
    %dma_wait3A_74 = arith.constant 0 : i32
    %dma_wait3A_75 = tpu.memref_slice %arg7[%dma_wait3A, %dma_wait3A_74] : memref<2x16384xf32, #tpu.memory_space<vmem>> -> memref<1x16384xf32, #tpu.memory_space<vmem>>
    %dma_wait3A_76 = tpu.memref_squeeze %dma_wait3A_75 : memref<1x16384xf32, #tpu.memory_space<vmem>> -> memref<16384xf32, #tpu.memory_space<vmem>>
    %dma_wait3A_77 = arith.constant 0 : i32
    %dma_wait3A_78 = tpu.memref_slice %arg2[%add3A_72, %dma_wait3A_77] : memref<32x16384xf32, #tpu.memory_space<hbm>> -> memref<1x16384xf32, #tpu.memory_space<hbm>>
    %dma_wait3A_79 = tpu.memref_squeeze %dma_wait3A_78 : memref<1x16384xf32, #tpu.memory_space<hbm>> -> memref<16384xf32, #tpu.memory_space<hbm>>
    %dma_wait3A_80 = tpu.memref_slice %arg9[%dma_wait3A_73] : memref<2x!tpu.dma_semaphore, #tpu.memory_space<semaphore_mem>> -> memref<1x!tpu.dma_semaphore, #tpu.memory_space<semaphore_mem>>
    %dma_wait3A_81 = tpu.memref_squeeze %dma_wait3A_80 : memref<1x!tpu.dma_semaphore, #tpu.memory_space<semaphore_mem>> -> memref<!tpu.dma_semaphore, #tpu.memory_space<semaphore_mem>>
    %dma_wait3A_82 = arith.constant 0 : i32
    %dma_wait3A_83 = tpu.memref_slice %arg7[%dma_wait3A, %dma_wait3A_82] : memref<2x16384xf32, #tpu.memory_space<vmem>> -> memref<1x16384xf32, #tpu.memory_space<vmem>>
    %dma_wait3A_84 = tpu.memref_squeeze %dma_wait3A_83 : memref<1x16384xf32, #tpu.memory_space<vmem>> -> memref<16384xf32, #tpu.memory_space<vmem>>
    %dma_wait3A_85 = arith.constant 0 : i32
    %dma_wait3A_86 = tpu.memref_slice %arg2[%add3A_72, %dma_wait3A_85] : memref<32x16384xf32, #tpu.memory_space<hbm>> -> memref<1x16384xf32, #tpu.memory_space<hbm>>
    %dma_wait3A_87 = tpu.memref_squeeze %dma_wait3A_86 : memref<1x16384xf32, #tpu.memory_space<hbm>> -> memref<16384xf32, #tpu.memory_space<hbm>>
    tpu.wait_dma2 semaphore(%dma_wait3A_81 : memref<!tpu.dma_semaphore, #tpu.memory_space<semaphore_mem>>) src(%dma_wait3A_87 : memref<16384xf32, #tpu.memory_space<hbm>>) dst(%dma_wait3A_84 : memref<16384xf32, #tpu.memory_space<vmem>>)
    %scan3A = arith.constant 0 : i32
    %scan3A_88 = arith.constant 0 : i32
    %scan3A_89 = arith.constant 128 : i32
    %scan3A_90 = arith.addi %scan3A_88, %scan3A_89 : i32
    %scan3A_91 = arith.constant 1 : i32
    %scan3A_92:9 = scf.for %scan3A_157 = %scan3A_88 to %scan3A_90 step %scan3A_91 iter_args(%scan3A_158 = %broadcast_in_dim3A_54, %scan3A_159 = %broadcast_in_dim3A_56, %scan3A_160 = %broadcast_in_dim3A_58, %scan3A_161 = %broadcast_in_dim3A_60, %scan3A_162 = %broadcast_in_dim3A_62, %scan3A_163 = %broadcast_in_dim3A_64, %scan3A_164 = %broadcast_in_dim3A_66, %scan3A_165 = %broadcast_in_dim3A_68, %scan3A_166 = %broadcast_in_dim3A_70) -> (vector<16xf32>, vector<16xf32>, vector<16xf32>, vector<16xf32>, vector<16xf32>, vector<16xf32>, vector<16xf32>, vector<16xf32>, vector<16xf32>)  : i32 {
      %mul3A_167 = arith.constant 128 : i32
      %mul3A_168 = arith.muli %scan3A_157, %mul3A_167 : i32
      %add3A_169 = arith.constant 0 : i32
      %add3A_170 = arith.addi %mul3A_168, %add3A_169 : i32
      %get3A_171 = arith.constant 0 : i32
      %get3A_172 = tpu.memref_slice %arg7[%scan3A, %get3A_171] : memref<2x16384xf32, #tpu.memory_space<vmem>> -> memref<1x16384xf32, #tpu.memory_space<vmem>>
      %get3A_173 = tpu.memref_squeeze %get3A_172 : memref<1x16384xf32, #tpu.memory_space<vmem>> -> memref<16384xf32, #tpu.memory_space<vmem>>
      %get3A_174 = arith.index_cast %add3A_170 : i32 to index
      %get3A_175 = tpu.vector_load %get3A_173[%get3A_174] {strides = array<i32>} : memref<16384xf32, #tpu.memory_space<vmem>>, vector<16xf32>,
      %get3A_176 = vector.shape_cast %get3A_175 : vector<16xf32> to vector<16xf32>
      %add3A_177 = arith.constant 16 : i32
      %add3A_178 = arith.addi %mul3A_168, %add3A_177 : i32
      %get3A_179 = arith.constant 0 : i32
      %get3A_180 = tpu.memref_slice %arg7[%scan3A, %get3A_179] : memref<2x16384xf32, #tpu.memory_space<vmem>> -> memref<1x16384xf32, #tpu.memory_space<vmem>>
      %get3A_181 = tpu.memref_squeeze %get3A_180 : memref<1x16384xf32, #tpu.memory_space<vmem>> -> memref<16384xf32, #tpu.memory_space<vmem>>
      %get3A_182 = arith.index_cast %add3A_178 : i32 to index
      %get3A_183 = tpu.vector_load %get3A_181[%get3A_182] {strides = array<i32>} : memref<16384xf32, #tpu.memory_space<vmem>>, vector<16xf32>,
      %get3A_184 = vector.shape_cast %get3A_183 : vector<16xf32> to vector<16xf32>
      %add3A_185 = arith.constant 32 : i32
      %add3A_186 = arith.addi %mul3A_168, %add3A_185 : i32
      %get3A_187 = arith.constant 0 : i32
      %get3A_188 = tpu.memref_slice %arg7[%scan3A, %get3A_187] : memref<2x16384xf32, #tpu.memory_space<vmem>> -> memref<1x16384xf32, #tpu.memory_space<vmem>>
      %get3A_189 = tpu.memref_squeeze %get3A_188 : memref<1x16384xf32, #tpu.memory_space<vmem>> -> memref<16384xf32, #tpu.memory_space<vmem>>
      %get3A_190 = arith.index_cast %add3A_186 : i32 to index
      %get3A_191 = tpu.vector_load %get3A_189[%get3A_190] {strides = array<i32>} : memref<16384xf32, #tpu.memory_space<vmem>>, vector<16xf32>,
      %get3A_192 = vector.shape_cast %get3A_191 : vector<16xf32> to vector<16xf32>
      %add3A_193 = arith.constant 48 : i32
      %add3A_194 = arith.addi %mul3A_168, %add3A_193 : i32
      %get3A_195 = arith.constant 0 : i32
      %get3A_196 = tpu.memref_slice %arg7[%scan3A, %get3A_195] : memref<2x16384xf32, #tpu.memory_space<vmem>> -> memref<1x16384xf32, #tpu.memory_space<vmem>>
      %get3A_197 = tpu.memref_squeeze %get3A_196 : memref<1x16384xf32, #tpu.memory_space<vmem>> -> memref<16384xf32, #tpu.memory_space<vmem>>
      %get3A_198 = arith.index_cast %add3A_194 : i32 to index
      %get3A_199 = tpu.vector_load %get3A_197[%get3A_198] {strides = array<i32>} : memref<16384xf32, #tpu.memory_space<vmem>>, vector<16xf32>,
      %get3A_200 = vector.shape_cast %get3A_199 : vector<16xf32> to vector<16xf32>
      %add3A_201 = arith.constant 64 : i32
      %add3A_202 = arith.addi %mul3A_168, %add3A_201 : i32
      %get3A_203 = arith.constant 0 : i32
      %get3A_204 = tpu.memref_slice %arg7[%scan3A, %get3A_203] : memref<2x16384xf32, #tpu.memory_space<vmem>> -> memref<1x16384xf32, #tpu.memory_space<vmem>>
      %get3A_205 = tpu.memref_squeeze %get3A_204 : memref<1x16384xf32, #tpu.memory_space<vmem>> -> memref<16384xf32, #tpu.memory_space<vmem>>
      %get3A_206 = arith.index_cast %add3A_202 : i32 to index
      %get3A_207 = tpu.vector_load %get3A_205[%get3A_206] {strides = array<i32>} : memref<16384xf32, #tpu.memory_space<vmem>>, vector<16xf32>,
      %get3A_208 = vector.shape_cast %get3A_207 : vector<16xf32> to vector<16xf32>
      %add3A_209 = arith.constant 80 : i32
      %add3A_210 = arith.addi %mul3A_168, %add3A_209 : i32
      %get3A_211 = arith.constant 0 : i32
      %get3A_212 = tpu.memref_slice %arg7[%scan3A, %get3A_211] : memref<2x16384xf32, #tpu.memory_space<vmem>> -> memref<1x16384xf32, #tpu.memory_space<vmem>>
      %get3A_213 = tpu.memref_squeeze %get3A_212 : memref<1x16384xf32, #tpu.memory_space<vmem>> -> memref<16384xf32, #tpu.memory_space<vmem>>
      %get3A_214 = arith.index_cast %add3A_210 : i32 to index
      %get3A_215 = tpu.vector_load %get3A_213[%get3A_214] {strides = array<i32>} : memref<16384xf32, #tpu.memory_space<vmem>>, vector<16xf32>,
      %get3A_216 = vector.shape_cast %get3A_215 : vector<16xf32> to vector<16xf32>
      %add3A_217 = arith.constant 96 : i32
      %add3A_218 = arith.addi %mul3A_168, %add3A_217 : i32
      %get3A_219 = arith.constant 0 : i32
      %get3A_220 = tpu.memref_slice %arg7[%scan3A, %get3A_219] : memref<2x16384xf32, #tpu.memory_space<vmem>> -> memref<1x16384xf32, #tpu.memory_space<vmem>>
      %get3A_221 = tpu.memref_squeeze %get3A_220 : memref<1x16384xf32, #tpu.memory_space<vmem>> -> memref<16384xf32, #tpu.memory_space<vmem>>
      %get3A_222 = arith.index_cast %add3A_218 : i32 to index
      %get3A_223 = tpu.vector_load %get3A_221[%get3A_222] {strides = array<i32>} : memref<16384xf32, #tpu.memory_space<vmem>>, vector<16xf32>,
      %get3A_224 = vector.shape_cast %get3A_223 : vector<16xf32> to vector<16xf32>
      %add3A_225 = arith.constant 112 : i32
      %add3A_226 = arith.addi %mul3A_168, %add3A_225 : i32
      %get3A_227 = arith.constant 0 : i32
      %get3A_228 = tpu.memref_slice %arg7[%scan3A, %get3A_227] : memref<2x16384xf32, #tpu.memory_space<vmem>> -> memref<1x16384xf32, #tpu.memory_space<vmem>>
      %get3A_229 = tpu.memref_squeeze %get3A_228 : memref<1x16384xf32, #tpu.memory_space<vmem>> -> memref<16384xf32, #tpu.memory_space<vmem>>
      %get3A_230 = arith.index_cast %add3A_226 : i32 to index
      %get3A_231 = tpu.vector_load %get3A_229[%get3A_230] {strides = array<i32>} : memref<16384xf32, #tpu.memory_space<vmem>>, vector<16xf32>,
      %get3A_232 = vector.shape_cast %get3A_231 : vector<16xf32> to vector<16xf32>
      %mul3A_233 = arith.mulf %get3A_176, %get3A_2 : vector<16xf32>
      %mul3A_234 = arith.mulf %get3A_184, %get3A_5 : vector<16xf32>
      %add3A_235 = arith.addf %mul3A_233, %mul3A_234 : vector<16xf32>
      %mul3A_236 = arith.mulf %get3A_192, %get3A_8 : vector<16xf32>
      %add3A_237 = arith.addf %add3A_235, %mul3A_236 : vector<16xf32>
      %mul3A_238 = arith.mulf %get3A_200, %get3A_11 : vector<16xf32>
      %add3A_239 = arith.addf %add3A_237, %mul3A_238 : vector<16xf32>
      %mul3A_240 = arith.mulf %get3A_208, %get3A_14 : vector<16xf32>
      %add3A_241 = arith.addf %add3A_239, %mul3A_240 : vector<16xf32>
      %mul3A_242 = arith.mulf %get3A_216, %get3A_17 : vector<16xf32>
      %add3A_243 = arith.addf %add3A_241, %mul3A_242 : vector<16xf32>
      %mul3A_244 = arith.mulf %get3A_224, %get3A_20 : vector<16xf32>
      %add3A_245 = arith.addf %add3A_243, %mul3A_244 : vector<16xf32>
      %mul3A_246 = arith.mulf %get3A_232, %get3A_23 : vector<16xf32>
      %add3A_247 = arith.addf %add3A_245, %mul3A_246 : vector<16xf32>
      %broadcast_in_dim3A_248 = vector.shape_cast %xor3A_44 : vector<16xi32> to vector<16x1xi32>
      %gather3A = vector.shape_cast %broadcast_in_dim3A_248 : vector<16x1xi32> to vector<16xi32>
      %gather3A_249 = tpu.dynamic_gather %add3A_247[%gather3A] in [0] : vector<16xf32>, vector<16xi32> -> vector<16xf32>
      %add3A_250 = arith.addf %add3A_247, %gather3A_249 : vector<16xf32>
      %broadcast_in_dim3A_251 = vector.shape_cast %xor3A_47 : vector<16xi32> to vector<16x1xi32>
      %gather3A_252 = vector.shape_cast %broadcast_in_dim3A_251 : vector<16x1xi32> to vector<16xi32>
      %gather3A_253 = tpu.dynamic_gather %add3A_250[%gather3A_252] in [0] : vector<16xf32>, vector<16xi32> -> vector<16xf32>
      %add3A_254 = arith.addf %add3A_250, %gather3A_253 : vector<16xf32>
      %broadcast_in_dim3A_255 = vector.shape_cast %xor3A_50 : vector<16xi32> to vector<16x1xi32>
      %gather3A_256 = vector.shape_cast %broadcast_in_dim3A_255 : vector<16x1xi32> to vector<16xi32>
      %gather3A_257 = tpu.dynamic_gather %add3A_254[%gather3A_256] in [0] : vector<16xf32>, vector<16xi32> -> vector<16xf32>
      %add3A_258 = arith.addf %add3A_254, %gather3A_257 : vector<16xf32>
      %broadcast_in_dim3A_259 = vector.shape_cast %xor3A_53 : vector<16xi32> to vector<16x1xi32>
      %gather3A_260 = vector.shape_cast %broadcast_in_dim3A_259 : vector<16x1xi32> to vector<16xi32>
      %gather3A_261 = tpu.dynamic_gather %add3A_258[%gather3A_260] in [0] : vector<16xf32>, vector<16xi32> -> vector<16xf32>
      %add3A_262 = arith.addf %add3A_258, %gather3A_261 : vector<16xf32>
      %exp3A = math.exp %add3A_262 : vector<16xf32>
      %mul3A_263 = arith.mulf %exp3A, %get3A_176 : vector<16xf32>
      %add3A_264 = arith.addf %scan3A_158, %mul3A_263 : vector<16xf32>
      %mul3A_265 = arith.mulf %exp3A, %get3A_184 : vector<16xf32>
      %add3A_266 = arith.addf %scan3A_159, %mul3A_265 : vector<16xf32>
      %mul3A_267 = arith.mulf %exp3A, %get3A_192 : vector<16xf32>
      %add3A_268 = arith.addf %scan3A_160, %mul3A_267 : vector<16xf32>
      %mul3A_269 = arith.mulf %exp3A, %get3A_200 : vector<16xf32>
      %add3A_270 = arith.addf %scan3A_161, %mul3A_269 : vector<16xf32>
      %mul3A_271 = arith.mulf %exp3A, %get3A_208 : vector<16xf32>
      %add3A_272 = arith.addf %scan3A_162, %mul3A_271 : vector<16xf32>
      %mul3A_273 = arith.mulf %exp3A, %get3A_216 : vector<16xf32>
      %add3A_274 = arith.addf %scan3A_163, %mul3A_273 : vector<16xf32>
      %mul3A_275 = arith.mulf %exp3A, %get3A_224 : vector<16xf32>
      %add3A_276 = arith.addf %scan3A_164, %mul3A_275 : vector<16xf32>
      %mul3A_277 = arith.mulf %exp3A, %get3A_232 : vector<16xf32>
      %add3A_278 = arith.addf %scan3A_165, %mul3A_277 : vector<16xf32>
      %add3A_279 = arith.addf %scan3A_166, %exp3A : vector<16xf32>
      scf.yield %add3A_264, %add3A_266, %add3A_268, %add3A_270, %add3A_272, %add3A_274, %add3A_276, %add3A_278, %add3A_279 : vector<16xf32>, vector<16xf32>, vector<16xf32>, vector<16xf32>, vector<16xf32>, vector<16xf32>, vector<16xf32>, vector<16xf32>, vector<16xf32>
    }
    %scan3A_93 = arith.constant 128 : i32
    %swap3A = arith.constant 0 : index
    %swap3A_94 = tpu.vector_load %arg8[%swap3A] {strides = array<i32>} : memref<256xf32, #tpu.memory_space<vmem>>, vector<16xf32>,
    %swap3A_95 = vector.shape_cast %swap3A_94 : vector<16xf32> to vector<16xf32>
    %swap3A_96 = vector.shape_cast %scan3A_92#0 : vector<16xf32> to vector<16xf32>
    tpu.vector_store %arg8[%swap3A], %swap3A_96 {strides = array<i32>} : memref<256xf32, #tpu.memory_space<vmem>>, vector<16xf32>,
    %swap3A_97 = arith.constant 16 : index
    %swap3A_98 = tpu.vector_load %arg8[%swap3A_97] {strides = array<i32>} : memref<256xf32, #tpu.memory_space<vmem>>, vector<16xf32>,
    %swap3A_99 = vector.shape_cast %swap3A_98 : vector<16xf32> to vector<16xf32>
    %swap3A_100 = vector.shape_cast %scan3A_92#1 : vector<16xf32> to vector<16xf32>
    tpu.vector_store %arg8[%swap3A_97], %swap3A_100 {strides = array<i32>} : memref<256xf32, #tpu.memory_space<vmem>>, vector<16xf32>,
    %swap3A_101 = arith.constant 32 : index
    %swap3A_102 = tpu.vector_load %arg8[%swap3A_101] {strides = array<i32>} : memref<256xf32, #tpu.memory_space<vmem>>, vector<16xf32>,
    %swap3A_103 = vector.shape_cast %swap3A_102 : vector<16xf32> to vector<16xf32>
    %swap3A_104 = vector.shape_cast %scan3A_92#2 : vector<16xf32> to vector<16xf32>
    tpu.vector_store %arg8[%swap3A_101], %swap3A_104 {strides = array<i32>} : memref<256xf32, #tpu.memory_space<vmem>>, vector<16xf32>,
    %swap3A_105 = arith.constant 48 : index
    %swap3A_106 = tpu.vector_load %arg8[%swap3A_105] {strides = array<i32>} : memref<256xf32, #tpu.memory_space<vmem>>, vector<16xf32>,
    %swap3A_107 = vector.shape_cast %swap3A_106 : vector<16xf32> to vector<16xf32>
    %swap3A_108 = vector.shape_cast %scan3A_92#3 : vector<16xf32> to vector<16xf32>
    tpu.vector_store %arg8[%swap3A_105], %swap3A_108 {strides = array<i32>} : memref<256xf32, #tpu.memory_space<vmem>>, vector<16xf32>,
    %swap3A_109 = arith.constant 64 : index
    %swap3A_110 = tpu.vector_load %arg8[%swap3A_109] {strides = array<i32>} : memref<256xf32, #tpu.memory_space<vmem>>, vector<16xf32>,
    %swap3A_111 = vector.shape_cast %swap3A_110 : vector<16xf32> to vector<16xf32>
    %swap3A_112 = vector.shape_cast %scan3A_92#4 : vector<16xf32> to vector<16xf32>
    tpu.vector_store %arg8[%swap3A_109], %swap3A_112 {strides = array<i32>} : memref<256xf32, #tpu.memory_space<vmem>>, vector<16xf32>,
    %swap3A_113 = arith.constant 80 : index
    %swap3A_114 = tpu.vector_load %arg8[%swap3A_113] {strides = array<i32>} : memref<256xf32, #tpu.memory_space<vmem>>, vector<16xf32>,
    %swap3A_115 = vector.shape_cast %swap3A_114 : vector<16xf32> to vector<16xf32>
    %swap3A_116 = vector.shape_cast %scan3A_92#5 : vector<16xf32> to vector<16xf32>
    tpu.vector_store %arg8[%swap3A_113], %swap3A_116 {strides = array<i32>} : memref<256xf32, #tpu.memory_space<vmem>>, vector<16xf32>,
    %swap3A_117 = arith.constant 96 : index
    %swap3A_118 = tpu.vector_load %arg8[%swap3A_117] {strides = array<i32>} : memref<256xf32, #tpu.memory_space<vmem>>, vector<16xf32>,
    %swap3A_119 = vector.shape_cast %swap3A_118 : vector<16xf32> to vector<16xf32>
    %swap3A_120 = vector.shape_cast %scan3A_92#6 : vector<16xf32> to vector<16xf32>
    tpu.vector_store %arg8[%swap3A_117], %swap3A_120 {strides = array<i32>} : memref<256xf32, #tpu.memory_space<vmem>>, vector<16xf32>,
    %swap3A_121 = arith.constant 112 : index
    %swap3A_122 = tpu.vector_load %arg8[%swap3A_121] {strides = array<i32>} : memref<256xf32, #tpu.memory_space<vmem>>, vector<16xf32>,
    %swap3A_123 = vector.shape_cast %swap3A_122 : vector<16xf32> to vector<16xf32>
    %swap3A_124 = vector.shape_cast %scan3A_92#7 : vector<16xf32> to vector<16xf32>
    tpu.vector_store %arg8[%swap3A_121], %swap3A_124 {strides = array<i32>} : memref<256xf32, #tpu.memory_space<vmem>>, vector<16xf32>,
    %swap3A_125 = arith.constant 128 : index
    %swap3A_126 = tpu.vector_load %arg8[%swap3A_125] {strides = array<i32>} : memref<256xf32, #tpu.memory_space<vmem>>, vector<16xf32>,
    %swap3A_127 = vector.shape_cast %swap3A_126 : vector<16xf32> to vector<16xf32>
    %swap3A_128 = vector.shape_cast %scan3A_92#8 : vector<16xf32> to vector<16xf32>
    tpu.vector_store %arg8[%swap3A_125], %swap3A_128 {strides = array<i32>} : memref<256xf32, #tpu.memory_space<vmem>>, vector<16xf32>,
    %swap3A_129 = arith.constant 144 : index
    %swap3A_130 = tpu.vector_load %arg8[%swap3A_129] {strides = array<i32>} : memref<256xf32, #tpu.memory_space<vmem>>, vector<16xf32>,
    %swap3A_131 = vector.shape_cast %swap3A_130 : vector<16xf32> to vector<16xf32>
    %swap3A_132 = vector.shape_cast %scan3A_92#8 : vector<16xf32> to vector<16xf32>
    tpu.vector_store %arg8[%swap3A_129], %swap3A_132 {strides = array<i32>} : memref<256xf32, #tpu.memory_space<vmem>>, vector<16xf32>,
    %swap3A_133 = arith.constant 160 : index
    %swap3A_134 = tpu.vector_load %arg8[%swap3A_133] {strides = array<i32>} : memref<256xf32, #tpu.memory_space<vmem>>, vector<16xf32>,
    %swap3A_135 = vector.shape_cast %swap3A_134 : vector<16xf32> to vector<16xf32>
    %swap3A_136 = vector.shape_cast %scan3A_92#8 : vector<16xf32> to vector<16xf32>
    tpu.vector_store %arg8[%swap3A_133], %swap3A_136 {strides = array<i32>} : memref<256xf32, #tpu.memory_space<vmem>>, vector<16xf32>,
    %swap3A_137 = arith.constant 176 : index
    %swap3A_138 = tpu.vector_load %arg8[%swap3A_137] {strides = array<i32>} : memref<256xf32, #tpu.memory_space<vmem>>, vector<16xf32>,
    %swap3A_139 = vector.shape_cast %swap3A_138 : vector<16xf32> to vector<16xf32>
    %swap3A_140 = vector.shape_cast %scan3A_92#8 : vector<16xf32> to vector<16xf32>
    tpu.vector_store %arg8[%swap3A_137], %swap3A_140 {strides = array<i32>} : memref<256xf32, #tpu.memory_space<vmem>>, vector<16xf32>,
    %swap3A_141 = arith.constant 192 : index
    %swap3A_142 = tpu.vector_load %arg8[%swap3A_141] {strides = array<i32>} : memref<256xf32, #tpu.memory_space<vmem>>, vector<16xf32>,
    %swap3A_143 = vector.shape_cast %swap3A_142 : vector<16xf32> to vector<16xf32>
    %swap3A_144 = vector.shape_cast %scan3A_92#8 : vector<16xf32> to vector<16xf32>
    tpu.vector_store %arg8[%swap3A_141], %swap3A_144 {strides = array<i32>} : memref<256xf32, #tpu.memory_space<vmem>>, vector<16xf32>,
    %swap3A_145 = arith.constant 208 : index
    %swap3A_146 = tpu.vector_load %arg8[%swap3A_145] {strides = array<i32>} : memref<256xf32, #tpu.memory_space<vmem>>, vector<16xf32>,
    %swap3A_147 = vector.shape_cast %swap3A_146 : vector<16xf32> to vector<16xf32>
    %swap3A_148 = vector.shape_cast %scan3A_92#8 : vector<16xf32> to vector<16xf32>
    tpu.vector_store %arg8[%swap3A_145], %swap3A_148 {strides = array<i32>} : memref<256xf32, #tpu.memory_space<vmem>>, vector<16xf32>,
    %swap3A_149 = arith.constant 224 : index
    %swap3A_150 = tpu.vector_load %arg8[%swap3A_149] {strides = array<i32>} : memref<256xf32, #tpu.memory_space<vmem>>, vector<16xf32>,
    %swap3A_151 = vector.shape_cast %swap3A_150 : vector<16xf32> to vector<16xf32>
    %swap3A_152 = vector.shape_cast %scan3A_92#8 : vector<16xf32> to vector<16xf32>
    tpu.vector_store %arg8[%swap3A_149], %swap3A_152 {strides = array<i32>} : memref<256xf32, #tpu.memory_space<vmem>>, vector<16xf32>,
    %swap3A_153 = arith.constant 240 : index
    %swap3A_154 = tpu.vector_load %arg8[%swap3A_153] {strides = array<i32>} : memref<256xf32, #tpu.memory_space<vmem>>, vector<16xf32>,
    %swap3A_155 = vector.shape_cast %swap3A_154 : vector<16xf32> to vector<16xf32>
    %swap3A_156 = vector.shape_cast %scan3A_92#8 : vector<16xf32> to vector<16xf32>
    tpu.vector_store %arg8[%swap3A_153], %swap3A_156 {strides = array<i32>} : memref<256xf32, #tpu.memory_space<vmem>>, vector<16xf32>,
    "tpu.region"() ({
      %run_scoped3A = tpu.sem_alloc : memref<!tpu.dma_semaphore, #tpu.memory_space<semaphore_mem>>
      %dma_start3A_157 = arith.constant 0 : i32
      %dma_start3A_158 = tpu.memref_slice %arg8[%dma_start3A_157] : memref<256xf32, #tpu.memory_space<vmem>> -> memref<128xf32, #tpu.memory_space<vmem>>
      %dma_start3A_159 = arith.constant 0 : i32
      %dma_start3A_160 = tpu.memref_slice %arg4[%add3A, %dma_start3A_159] : memref<32x128xf32, #tpu.memory_space<hbm>> -> memref<1x128xf32, #tpu.memory_space<hbm>>
      %dma_start3A_161 = tpu.memref_squeeze %dma_start3A_160 : memref<1x128xf32, #tpu.memory_space<hbm>> -> memref<128xf32, #tpu.memory_space<hbm>>
      %dma_start3A_162 = arith.constant 0 : i32
      %dma_start3A_163 = tpu.memref_slice %arg4[%add3A, %dma_start3A_162] : memref<32x128xf32, #tpu.memory_space<hbm>> -> memref<1x128xf32, #tpu.memory_space<hbm>>
      %dma_start3A_164 = tpu.memref_squeeze %dma_start3A_163 : memref<1x128xf32, #tpu.memory_space<hbm>> -> memref<128xf32, #tpu.memory_space<hbm>>
      %dma_start3A_165 = arith.constant 0 : i32
      %dma_start3A_166 = tpu.memref_slice %arg8[%dma_start3A_165] : memref<256xf32, #tpu.memory_space<vmem>> -> memref<128xf32, #tpu.memory_space<vmem>>
      tpu.enqueue_dma source(%dma_start3A_166 : memref<128xf32, #tpu.memory_space<vmem>>) target(%dma_start3A_164 : memref<128xf32, #tpu.memory_space<hbm>>) target_semaphore(%run_scoped3A : memref<!tpu.dma_semaphore, #tpu.memory_space<semaphore_mem>>)
      %dma_wait3A_167 = arith.constant 0 : i32
      %dma_wait3A_168 = tpu.memref_slice %arg8[%dma_wait3A_167] : memref<256xf32, #tpu.memory_space<vmem>> -> memref<128xf32, #tpu.memory_space<vmem>>
      %dma_wait3A_169 = arith.constant 0 : i32
      %dma_wait3A_170 = tpu.memref_slice %arg4[%add3A, %dma_wait3A_169] : memref<32x128xf32, #tpu.memory_space<hbm>> -> memref<1x128xf32, #tpu.memory_space<hbm>>
      %dma_wait3A_171 = tpu.memref_squeeze %dma_wait3A_170 : memref<1x128xf32, #tpu.memory_space<hbm>> -> memref<128xf32, #tpu.memory_space<hbm>>
      %dma_wait3A_172 = arith.constant 0 : i32
      %dma_wait3A_173 = tpu.memref_slice %arg4[%add3A, %dma_wait3A_172] : memref<32x128xf32, #tpu.memory_space<hbm>> -> memref<1x128xf32, #tpu.memory_space<hbm>>
      %dma_wait3A_174 = tpu.memref_squeeze %dma_wait3A_173 : memref<1x128xf32, #tpu.memory_space<hbm>> -> memref<128xf32, #tpu.memory_space<hbm>>
      %dma_wait3A_175 = arith.constant 0 : i32
      %dma_wait3A_176 = tpu.memref_slice %arg8[%dma_wait3A_175] : memref<256xf32, #tpu.memory_space<vmem>> -> memref<128xf32, #tpu.memory_space<vmem>>
      tpu.wait_dma2 semaphore(%run_scoped3A : memref<!tpu.dma_semaphore, #tpu.memory_space<semaphore_mem>>) src(%dma_wait3A_176 : memref<128xf32, #tpu.memory_space<vmem>>) dst(%dma_wait3A_174 : memref<128xf32, #tpu.memory_space<hbm>>)
      tpu.yield
    }) : () -> ()
    "tpu.region"() ({
      %run_scoped3A = tpu.sem_alloc : memref<!tpu.dma_semaphore, #tpu.memory_space<semaphore_mem>>
      %dma_start3A_157 = arith.constant 128 : i32
      %dma_start3A_158 = tpu.memref_slice %arg8[%dma_start3A_157] : memref<256xf32, #tpu.memory_space<vmem>> -> memref<128xf32, #tpu.memory_space<vmem>>
      %dma_start3A_159 = arith.constant 0 : i32
      %dma_start3A_160 = tpu.memref_slice %arg5[%add3A, %dma_start3A_159] : memref<32x128xf32, #tpu.memory_space<hbm>> -> memref<1x128xf32, #tpu.memory_space<hbm>>
      %dma_start3A_161 = tpu.memref_squeeze %dma_start3A_160 : memref<1x128xf32, #tpu.memory_space<hbm>> -> memref<128xf32, #tpu.memory_space<hbm>>
      %dma_start3A_162 = arith.constant 0 : i32
      %dma_start3A_163 = tpu.memref_slice %arg5[%add3A, %dma_start3A_162] : memref<32x128xf32, #tpu.memory_space<hbm>> -> memref<1x128xf32, #tpu.memory_space<hbm>>
      %dma_start3A_164 = tpu.memref_squeeze %dma_start3A_163 : memref<1x128xf32, #tpu.memory_space<hbm>> -> memref<128xf32, #tpu.memory_space<hbm>>
      %dma_start3A_165 = arith.constant 128 : i32
      %dma_start3A_166 = tpu.memref_slice %arg8[%dma_start3A_165] : memref<256xf32, #tpu.memory_space<vmem>> -> memref<128xf32, #tpu.memory_space<vmem>>
      tpu.enqueue_dma source(%dma_start3A_166 : memref<128xf32, #tpu.memory_space<vmem>>) target(%dma_start3A_164 : memref<128xf32, #tpu.memory_space<hbm>>) target_semaphore(%run_scoped3A : memref<!tpu.dma_semaphore, #tpu.memory_space<semaphore_mem>>)
      %dma_wait3A_167 = arith.constant 128 : i32
      %dma_wait3A_168 = tpu.memref_slice %arg8[%dma_wait3A_167] : memref<256xf32, #tpu.memory_space<vmem>> -> memref<128xf32, #tpu.memory_space<vmem>>
      %dma_wait3A_169 = arith.constant 0 : i32
      %dma_wait3A_170 = tpu.memref_slice %arg5[%add3A, %dma_wait3A_169] : memref<32x128xf32, #tpu.memory_space<hbm>> -> memref<1x128xf32, #tpu.memory_space<hbm>>
      %dma_wait3A_171 = tpu.memref_squeeze %dma_wait3A_170 : memref<1x128xf32, #tpu.memory_space<hbm>> -> memref<128xf32, #tpu.memory_space<hbm>>
      %dma_wait3A_172 = arith.constant 0 : i32
      %dma_wait3A_173 = tpu.memref_slice %arg5[%add3A, %dma_wait3A_172] : memref<32x128xf32, #tpu.memory_space<hbm>> -> memref<1x128xf32, #tpu.memory_space<hbm>>
      %dma_wait3A_174 = tpu.memref_squeeze %dma_wait3A_173 : memref<1x128xf32, #tpu.memory_space<hbm>> -> memref<128xf32, #tpu.memory_space<hbm>>
      %dma_wait3A_175 = arith.constant 128 : i32
      %dma_wait3A_176 = tpu.memref_slice %arg8[%dma_wait3A_175] : memref<256xf32, #tpu.memory_space<vmem>> -> memref<128xf32, #tpu.memory_space<vmem>>
      tpu.wait_dma2 semaphore(%run_scoped3A : memref<!tpu.dma_semaphore, #tpu.memory_space<semaphore_mem>>) src(%dma_wait3A_176 : memref<128xf32, #tpu.memory_space<vmem>>) dst(%dma_wait3A_174 : memref<128xf32, #tpu.memory_space<hbm>>)
      tpu.yield
    }) : () -> ()
    return
  }
}

module attributes {stable_mosaic.version = 14 : i64} {
  func.func @_tc_body(%arg0: i32, %arg1: memref<1x2048x128xf32, #tpu.memory_space<vmem>>, %arg2: memref<1x128xf32, #tpu.memory_space<vmem>>, %arg3: memref<128x128xf32, #tpu.memory_space<vmem>>, %arg4: memref<1x128xf32, #tpu.memory_space<vmem>>, %arg5: memref<1x1x128xf32, #tpu.memory_space<vmem>>) attributes {dimension_semantics = [#tpu.dimension_semantics<arbitrary>], iteration_bounds = array<i64: 14>, scalar_prefetch = 0 : i64, scratch_operands = 0 : i64, tpu.core_type = #tpu.core_type<tc>, window_params = [{transform_indices = @transform_0, window_bounds = array<i64: 1, 2048, 128>}, {pipeline_mode = #tpu.pipeline_mode<synchronous>, transform_indices = @transform_1, window_bounds = array<i64: 1, 128>}, {pipeline_mode = #tpu.pipeline_mode<synchronous>, transform_indices = @transform_2, window_bounds = array<i64: 128, 128>}, {pipeline_mode = #tpu.pipeline_mode<synchronous>, transform_indices = @transform_3, window_bounds = array<i64: 1, 128>}, {transform_indices = @transform_4, window_bounds = array<i64: 1, 1, 128>}]} {
    %get3A = arith.constant 0 : index
    %get3A_0 = arith.constant 0 : index
    %get3A_1 = arith.constant 0 : index
    %get3A_2 = vector.load %arg1[%get3A, %get3A_0, %get3A_1] : memref<1x2048x128xf32, #tpu.memory_space<vmem>>, vector<1x2048x128xf32>
    %get3A_3 = vector.shape_cast %get3A_2 : vector<1x2048x128xf32> to vector<2048x128xf32>
    %get3A_4 = arith.constant 0 : index
    %get3A_5 = arith.constant 0 : index
    %get3A_6 = vector.load %arg2[%get3A_4, %get3A_5] : memref<1x128xf32, #tpu.memory_space<vmem>>, vector<1x128xf32>
    %dot_general3A = arith.constant dense<0.000000e+00> : vector<1x2048xf32>
    %dot_general3A_7 = tpu.matmul %get3A_6, %get3A_3, %dot_general3A {dimension_numbers = #tpu.dot_dimension_numbers<[1], [1], [0], [0], [0, 0, 1, 0], [], []>, transpose_lhs_hint = false} : vector<1x128xf32>, vector<2048x128xf32>, vector<1x2048xf32> -> vector<1x2048xf32>
    %exp3A = math.exp %dot_general3A_7 : vector<1x2048xf32>
    %reduce_sum3A = vector.shape_cast %exp3A : vector<1x2048xf32> to vector<1x1x2048xf32>
    %reduce_sum3A_8 = arith.constant dense<0.000000e+00> : vector<1xf32>
    %reduce_sum3A_9 = vector.multi_reduction <add>, %reduce_sum3A, %reduce_sum3A_8 [1, 2] : vector<1x1x2048xf32> to vector<1xf32>
    %reduce_sum3A_10 = vector.shape_cast %reduce_sum3A_9 : vector<1xf32> to vector<1x1x1xf32>
    %reduce_sum3A_11 = vector.extract %reduce_sum3A_10[0, 0, 0] : f32 from vector<1x1x1xf32>
    %dot_general3A_12 = arith.constant dense<0.000000e+00> : vector<1x128xf32>
    %dot_general3A_13 = tpu.matmul %exp3A, %get3A_3, %dot_general3A_12 {dimension_numbers = #tpu.dot_dimension_numbers<[1], [0], [0], [1], [0, 0, 1, 1], [], []>, transpose_lhs_hint = false} : vector<1x2048xf32>, vector<2048x128xf32>, vector<1x128xf32> -> vector<1x128xf32>
    %get3A_14 = arith.constant 0 : index
    %get3A_15 = arith.constant 0 : index
    %get3A_16 = vector.load %arg3[%get3A_14, %get3A_15] : memref<128x128xf32, #tpu.memory_space<vmem>>, vector<128x128xf32>
    %dot_general3A_17 = arith.constant dense<0.000000e+00> : vector<1x128xf32>
    %dot_general3A_18 = tpu.matmul %dot_general3A_13, %get3A_16, %dot_general3A_17 {dimension_numbers = #tpu.dot_dimension_numbers<[1], [1], [0], [0], [0, 0, 1, 0], [], []>, transpose_lhs_hint = false} : vector<1x128xf32>, vector<128x128xf32>, vector<1x128xf32> -> vector<1x128xf32>
    %div3A = vector.broadcast %reduce_sum3A_11 : f32 to vector<1x128xf32>
    %div3A_19 = arith.divf %dot_general3A_18, %div3A : vector<1x128xf32>
    %get3A_20 = arith.constant 0 : index
    %get3A_21 = arith.constant 0 : index
    %get3A_22 = vector.load %arg4[%get3A_20, %get3A_21] : memref<1x128xf32, #tpu.memory_space<vmem>>, vector<1x128xf32>
    %add3A = arith.addf %div3A_19, %get3A_22 : vector<1x128xf32>
    %swap3A = arith.constant 0 : index
    %swap3A_23 = arith.constant 0 : index
    %swap3A_24 = arith.constant 0 : index
    %swap3A_25 = vector.load %arg5[%swap3A, %swap3A_23, %swap3A_24] : memref<1x1x128xf32, #tpu.memory_space<vmem>>, vector<1x1x128xf32>
    %swap3A_26 = vector.shape_cast %swap3A_25 : vector<1x1x128xf32> to vector<1x128xf32>
    %swap3A_27 = vector.shape_cast %add3A : vector<1x128xf32> to vector<1x1x128xf32>
    tpu.vector_store %arg5[%swap3A, %swap3A_23, %swap3A_24], %swap3A_27 {strides = array<i32>} : memref<1x1x128xf32, #tpu.memory_space<vmem>>, vector<1x1x128xf32>,
    return
  }
  func.func @transform_0(%arg0: i32) -> (i32, i32, i32) {
    %c0_i32 = arith.constant 0 : i32
    %c0_i32_0 = arith.constant 0 : i32
    %c0_i32_1 = arith.constant 0 : i32
    return %arg0, %c0_i32, %c0_i32_0 : i32, i32, i32
  }
  func.func @transform_1(%arg0: i32) -> (i32, i32) {
    %c0_i32 = arith.constant 0 : i32
    %c0_i32_0 = arith.constant 0 : i32
    %c0_i32_1 = arith.constant 0 : i32
    return %c0_i32, %c0_i32_0 : i32, i32
  }
  func.func @transform_2(%arg0: i32) -> (i32, i32) {
    %c0_i32 = arith.constant 0 : i32
    %c0_i32_0 = arith.constant 0 : i32
    %c0_i32_1 = arith.constant 0 : i32
    return %c0_i32, %c0_i32_0 : i32, i32
  }
  func.func @transform_3(%arg0: i32) -> (i32, i32) {
    %c0_i32 = arith.constant 0 : i32
    %c0_i32_0 = arith.constant 0 : i32
    %c0_i32_1 = arith.constant 0 : i32
    return %c0_i32, %c0_i32_0 : i32, i32
  }
  func.func @transform_4(%arg0: i32) -> (i32, i32, i32) {
    %c0_i32 = arith.constant 0 : i32
    %c0_i32_0 = arith.constant 0 : i32
    %c0_i32_1 = arith.constant 0 : i32
    return %arg0, %c0_i32, %c0_i32_0 : i32, i32, i32
  }
}

module attributes {stable_mosaic.version = 14 : i64} {
  func.func @_merge_body(%arg0: memref<32x128xf32, #tpu.memory_space<vmem>>, %arg1: memref<32x128xf32, #tpu.memory_space<vmem>>, %arg2: memref<128x128xf32, #tpu.memory_space<vmem>>, %arg3: memref<1x128xf32, #tpu.memory_space<vmem>>, %arg4: memref<2x128xf32, #tpu.memory_space<vmem>>) attributes {dimension_semantics = [], scalar_prefetch = 0 : i64, scratch_operands = 0 : i64, tpu.core_type = #tpu.core_type<tc>} {
    %get3A = arith.constant 0 : index
    %get3A_0 = arith.constant 0 : index
    %get3A_1 = vector.load %arg0[%get3A, %get3A_0] : memref<32x128xf32, #tpu.memory_space<vmem>>, vector<32x128xf32>
    %reshape3A = vector.shape_cast %get3A_1 : vector<32x128xf32> to vector<2x16x128xf32>
    %reduce_sum3A = arith.constant dense<0.000000e+00> : vector<2x128xf32>
    %reduce_sum3A_2 = vector.multi_reduction <add>, %reshape3A, %reduce_sum3A [1] : vector<2x16x128xf32> to vector<2x128xf32>
    %get3A_3 = arith.constant 0 : index
    %get3A_4 = arith.constant 0 : index
    %get3A_5 = vector.load %arg1[%get3A_3, %get3A_4] : memref<32x128xf32, #tpu.memory_space<vmem>>, vector<32x128xf32>
    %slice3A = vector.extract_strided_slice %get3A_5 {offsets = [0, 0], sizes = [32, 1], strides = [1, 1]} : vector<32x128xf32> to vector<32x1xf32>
    %reshape3A_6 = vector.shape_cast %slice3A : vector<32x1xf32> to vector<2x16xf32>
    %reduce_sum3A_7 = arith.constant dense<0.000000e+00> : vector<2xf32>
    %reduce_sum3A_8 = vector.multi_reduction <add>, %reshape3A_6, %reduce_sum3A_7 [1] : vector<2x16xf32> to vector<2xf32>
    %broadcast_in_dim3A = vector.shape_cast %reduce_sum3A_8 : vector<2xf32> to vector<2x1xf32>
    %get3A_9 = arith.constant 0 : index
    %get3A_10 = arith.constant 0 : index
    %get3A_11 = vector.load %arg2[%get3A_9, %get3A_10] : memref<128x128xf32, #tpu.memory_space<vmem>>, vector<128x128xf32>
    %dot_general3A = arith.constant dense<0.000000e+00> : vector<2x128xf32>
    %dot_general3A_12 = tpu.matmul %reduce_sum3A_2, %get3A_11, %dot_general3A {dimension_numbers = #tpu.dot_dimension_numbers<[1], [1], [0], [0], [0, 0, 1, 0], [], []>, transpose_lhs_hint = false} : vector<2x128xf32>, vector<128x128xf32>, vector<2x128xf32> -> vector<2x128xf32>
    %div3A = vector.broadcast %broadcast_in_dim3A : vector<2x1xf32> to vector<2x128xf32>
    %div3A_13 = arith.divf %dot_general3A_12, %div3A : vector<2x128xf32>
    %get3A_14 = arith.constant 0 : index
    %get3A_15 = arith.constant 0 : index
    %get3A_16 = vector.load %arg3[%get3A_14, %get3A_15] : memref<1x128xf32, #tpu.memory_space<vmem>>, vector<1x128xf32>
    %add3A = vector.broadcast %get3A_16 : vector<1x128xf32> to vector<2x128xf32>
    %add3A_17 = arith.addf %div3A_13, %add3A : vector<2x128xf32>
    %swap3A = arith.constant 0 : index
    %swap3A_18 = arith.constant 0 : index
    %swap3A_19 = vector.load %arg4[%swap3A, %swap3A_18] : memref<2x128xf32, #tpu.memory_space<vmem>>, vector<2x128xf32>
    tpu.vector_store %arg4[%swap3A, %swap3A_18], %add3A_17 {strides = array<i32>} : memref<2x128xf32, #tpu.memory_space<vmem>>, vector<2x128xf32>,
    return
  }
}

</mosaic_0001>

<sc_bundles>
// kernel: kernel.5.cloned.1.call-start
scs
__scs_entry_jumppad:
0x0: {  	(pc) =	sbr.rel $0x88, $3  }
0x1: {  	(tag) =	ssettag $0x0;
	lr =	simm.s32 $0x1  }
0x2: {  	[smem:$0x3F9D] =	sst lr;
	_ =	strace $0xD0000000  }
0x3: {  	_ = 	snop  }
0x4: {  	_ = 	snop  }
0x5: {  	_ = 	snop  }
0x6: {  	_ = 	snop  }
0x7: {  	_ = 	snop  }
__scs_overlays_trampoline_lowered:
0x8: {  	[smem:$0x3FAC] =	sst s0  }
0x9: {  	[smem:$0x3FAD] =	sst s1  }
0xa: {  	[smem:$0x3FAE] =	sst s2  }
0xb: {  	[smem:$0x3FAF] =	sst s3  }
0xc: {  	[smem:$0x3FB0] =	sst s4  }
0xd: {  	[smem:$0x3FB1] =	sst s5  }
0xe: {  	[smem:$0x3FB2] =	sst s6  }
0xf: {  	[smem:$0x3FB3] =	sst s7  }
0x10: {  	[smem:$0x3FB4] =	sst s8  }
0x11: {  	[smem:$0x3FB5] =	sst s9;
	s0 =	simm.s32 @!p0 $0x0  }
0x12: {  	s1 =	sld [smem:$0x3F9B];
	s0 =	simm.s32 @p0 $0x1  }
0x13: {  	[smem:$0x3FB6] =	sst s0;
	s0 =	simm.s32 @!p1 $0x0  }
0x14: {  	s2 =	sld [smem:$0x3F9A];
	s0 =	simm.s32 @p1 $0x1  }
0x15: {  	[smem:$0x3FB7] =	sst s0;
	s0 =	simm.s32 @!p2 $0x0  }
0x16: {  	s3 =	sld [smem:$0x3FDB];
	s0 =	simm.s32 @p2 $0x1  }
0x17: {  	s4 =	simm.s32 $0x1BF5;
	[smem:$0x3FB9] =	sst s0  }
0x18: {  	s0 =	sld [smem:$0x3F9C];
	_ =	swait.ge [sflag:s4], $0x0  }
0x19: {  	s7 =	sld [smem:$0x3F9D]  }
0x1a: {  	s8 =	sadd.s32 $0xFFFFE003, lr  }
0x1b: {  	s9 =	sadd.s32 $0xFFFFFEF7, lr;
	s5 =	simm.s32 $0xFFFFFFFF;
	p2 =	slt.u32 s8, $0xFFFFF086  }
0x1c: {  	p1 =	slt.u32 s9, $0xF7A;
	s5 =	simm.s32 @!p2 $0x0  }
0x1d: {  	s5 =	simm.s32 @p1 $0x1;
	p0 =	seq.s32 s7, s2  }
0x1e: {  	s7 =	smul.u32 @!p0 $0xF7A, s2;
	p2 =	seq.s32 @!p0 s5, $0x0  }
0x1f: {  	s9 =	smul.u32 $0xF7A, s1;
	s8 =	simm.s32 @!p0 $0x1BF5;
	p2 =	por !p2, p0  }
0x20: {  	[sflag:s8] =	ssyncset.s32 @!p0 $0xFFFFF086;
	s6 =	sadd.s32 @!p0 s3, s7;
	s7 =	simm.s32 @!p0 $0x108  }
0x21: {  	s3 =	sadd.s32 s3, s9;
	s6 =	sadd.s32 @!p0 $0x88, s6;
	s7 =	simm.s32 @p2 $0x1082  }
0x22: {  	[simem:s7], [sflag:s8] =	dma.local @!p0 [hbm:s6], $0xF7A  }
0x23: {  	s9 =	sor.u32 $0xD0000000, s2;
	s6 =	simm.s32 $0x108;
	_ =	swait.ge @!p0 [sflag:s8], $0x0  }
0x24: {  	s3 =	sadd.s32 $0x88, s3;
	s6 =	simm.s32 @!p1 $0x1082;
	[sflag:s4] =	ssyncset.s32 $0xFFFFF086  }
0x25: {  	[simem:s6], [sflag:s4] =	dma.local [hbm:s3], $0xF7A  }
0x26: {  	[smem:$0x3F9D] =	sst s1;
	(tag) =	ssettag s2;
	_ =	strace s9  }
0x27: {  	s1 =	sld [smem:$0x3FAD]  }
0x28: {  	s2 =	sld [smem:$0x3FAE]  }
0x29: {  	s4 =	sld [smem:$0x3FB0]  }
0x2a: {  	p0 =	seq.s32 s5, $0x0;
	s5 =	sld [smem:$0x3FB1]  }
0x2b: {  	s6 =	sld [smem:$0x3FB2]  }
0x2c: {  	s7 =	sld [smem:$0x3FB3]  }
0x2d: {  	s3 =	simm.s32 $0x108;
	s8 =	sld [smem:$0x3FB4]  }
0x2e: {  	s3 =	simm.s32 @!p0 $0x1082;
	s9 =	sld [smem:$0x3FB5]  }
0x2f: {  	lr =	sadd.s32 s0, s3;
	s0 =	sld [smem:$0x3FAC]  }
0x30: {  	s3 =	sld [smem:$0x3FAF]  }
0x31: {  	[smem:$0x3FB8] =	sst s10  }
0x32: {  	s10 =	sld [smem:$0x3FB6];
	_ =	sdelay $0x3  }
0x33: {  	p0 =	seq.s32 s10, $0x1;
	s10 =	sld [smem:$0x3FB8];
	_ =	sdelay $0x3  }
0x34: {  	[smem:$0x3FB8] =	sst s10  }
0x35: {  	s10 =	sld [smem:$0x3FB7];
	_ =	sdelay $0x3  }
0x36: {  	p1 =	seq.s32 s10, $0x1;
	s10 =	sld [smem:$0x3FB8];
	_ =	sdelay $0x3  }
0x37: {  	[smem:$0x3FB8] =	sst s10  }
0x38: {  	s10 =	sld [smem:$0x3FB9]  }
0x39: {  	_ = 	snop;
	(pc) =	sbr.ind lr, $3  }
0x3a: {  	_ = 	snop  }
0x3b: {  	_ = 	snop  }
0x3c: {  	p2 =	seq.s32 s10, $0x1;
	s10 =	sld [smem:$0x3FB8]  }
0x3d: {  	_ =	shalt  }
0x3e: {  	_ =	shalt  }
0x3f: {  	_ =	shalt  }
0x40: {  	_ =	shalt  }
0x41: {  	_ =	shalt  }
0x42: {  	_ =	shalt  }
0x43: {  	_ =	shalt  }
0x44: {  	_ =	shalt  }
0x45: {  	_ =	shalt  }
0x46: {  	_ =	shalt  }
0x47: {  	_ =	shalt  }
0x48: {  	_ =	shalt  }
0x49: {  	_ =	shalt  }
0x4a: {  	_ =	shalt  }
0x4b: {  	_ =	shalt  }
0x4c: {  	_ =	shalt  }
0x4d: {  	_ =	shalt  }
0x4e: {  	_ =	shalt  }
0x4f: {  	_ =	shalt  }
0x50: {  	_ =	shalt  }
0x51: {  	_ =	shalt  }
0x52: {  	_ =	shalt  }
0x53: {  	_ =	shalt  }
0x54: {  	_ =	shalt  }
0x55: {  	_ =	shalt  }
0x56: {  	_ =	shalt  }
0x57: {  	_ =	shalt  }
0x58: {  	_ =	shalt  }
0x59: {  	_ =	shalt  }
0x5a: {  	_ =	shalt  }
0x5b: {  	_ =	shalt  }
0x5c: {  	_ =	shalt  }
0x5d: {  	_ =	shalt  }
0x5e: {  	_ =	shalt  }
0x5f: {  	_ =	shalt  }
0x60: {  	_ =	shalt  }
0x61: {  	_ =	shalt  }
0x62: {  	_ =	shalt  }
0x63: {  	_ =	shalt  }
0x64: {  	_ =	shalt  }
0x65: {  	_ =	shalt  }
0x66: {  	_ =	shalt  }
0x67: {  	_ =	shalt  }
0x68: {  	_ =	shalt  }
0x69: {  	_ =	shalt  }
0x6a: {  	_ =	shalt  }
0x6b: {  	_ =	shalt  }
0x6c: {  	_ =	shalt  }
0x6d: {  	_ =	shalt  }
0x6e: {  	_ =	shalt  }
0x6f: {  	_ =	shalt  }
0x70: {  	_ =	shalt  }
0x71: {  	_ =	shalt  }
0x72: {  	_ =	shalt  }
0x73: {  	_ =	shalt  }
0x74: {  	_ =	shalt  }
0x75: {  	_ =	shalt  }
0x76: {  	_ =	shalt  }
0x77: {  	_ =	shalt  }
0x78: {  	_ =	shalt  }
0x79: {  	_ =	shalt  }
0x7a: {  	_ =	shalt  }
0x7b: {  	_ =	shalt  }
0x7c: {  	_ =	shalt  }
0x7d: {  	_ =	shalt  }
0x7e: {  	_ =	shalt  }
0x7f: {  	_ =	shalt  }
0x80: {  	_ =	shalt  }
0x81: {  	_ =	shalt  }
0x82: {  	_ =	shalt  }
0x83: {  	_ =	shalt  }
0x84: {  	_ =	shalt  }
0x85: {  	_ =	shalt  }
0x86: {  	_ =	shalt  }
0x87: {  	_ =	shalt  }
.Lfunc_end0:
.L_simem_size_0:
called_computation_lowered:
.L_overlay_start_0:
0x88: {  	s2 =	sld [smem:$0x3FD9]  }
0x89: {  	s3 =	sld [smem:$0x3FFE];
	_ =	sdelay $0x1  }
0x8a: {  	s1 =	srdreg.scid  }
0x8b: {  	s0 =	sand.u32 $0x1, s1  }
0x8c: {  	s17 =	sshll.u32 s0, $0xA;
	s2 =	sadd.s32 s3, s2  }
0x8d: {  	s2 =	sadd.s32 s2, s17  }
0x8e: {  	[smem:$0x3FC4] =	sst s2  }
0x8f: {  	_ = 	snop  }
0x90: {  	s2 =	sld [smem:$0x3FC6];
	(tm) =	ssettm $0x1  }
0x91: {  	s18 =	sld [smem:$0x3FFB];
	_ =	sdelay $0x3  }
0x92: {  	_ =	strace s18  }
0x93: {  	s3 =	sld [smem:$0x3FFC];
	_ =	sdelay $0x3  }
0x94: {  	_ =	strace s3  }
0x95: {  	s3 =	sld [smem:$0x3FFD];
	_ =	sdelay $0x3  }
0x96: {  	_ =	strace s3  }
0x97: {  	_ =	strace $0x8FFFFFFF  }
0x98: {  	s19 =	sld [smem:$0x3FDB];
	_ =	sdelay $0x1  }
0x99: {  	s4 =	simm.s32 $_scs_section_size  }
0x9a: {  	s5 =	simm.s32 $_size__tile_overlayer_lowered;
	s6 =	simm.s32 $_tile_overlayer_lowered  }
0x9b: {  	s22 =	simm.s32 $0x1BFF;
	s21 =	sshll.u32 s6, $0x1;
	s3 =	sadd.s32 s4, s19  }
0x9c: {  	s7 =	simm.s32 $0x0;
	s20 =	sshll.u32 s5, $0x1;
	s5 =	sadd.s32 s21, s3  }
0x9d: {  	[timem:s7], [sflag:s22] =	dma.local [hbm:s5], s20  }
0x9e: {  	_ =	swait.ge [sflag:s22], s20  }
0x9f: {  	s4 =	ssub.s32 $0x0, s20;
	[sflag:s22] =	ssyncset.done $0x0  }
0xa0: {  	[sflag:s22] =	ssyncadd.s32 s4;
	_ =	sdelay $0x1  }
0xa1: {  	s23 =	simm.s32 $0x1B8B  }
0xa2: {  	_ =	swait.ge [sflag:s23], $0x1  }
0xa3: {  	[sflag:s23] =	ssyncset.done $0x0  }
0xa4: {  	s25 =	simm.s32 $0x1B8E;
	s24 =	sld [smem:$0x3FFE];
	[sflag:s23] =	ssyncadd.s32 $0xFFFFFFFF  }
0xa5: {  	s26 =	simm.s32 $execute0_lowered;
	[smem:$0x3FD2] =	sst s25  }
0xa6: {  	s5 =	sshll.u32 s26, $0x1;
	_ =	strace $0x80000046;
	[dreg:$0x1] =	wrdreg $0xFFFFFFFF  }
0xa7: {  	s28 =	simm.s32 $_size_execute0_lowered;
	s3 =	sadd.s32 s3, s5;
	[dreg:$0x0] =	wrdreg $0x0  }
0xa8: {  	s5 =	sshll.u32 s28, $0x1;
	[dreg:$0x2] =	wrdreg s3  }
0xa9: {  	[dreg:$0x3] =	wrdreg s5  }
0xaa: {  	[dreg:$0x4] =	wrdreg $0xC0  }
0xab: {  	_ =	task [dreg:s7], $0x5FFFF  }
0xac: {  	[dreg:$0x1] =	wrdreg $0xFFFFFFFF  }
0xad: {  	[dreg:$0x0] =	wrdreg $0x60  }
0xae: {  	[dreg:$0x2] =	wrdreg s24  }
0xaf: {  	[dreg:$0x3] =	wrdreg s2  }
0xb0: {  	[dreg:$0x4] =	wrdreg $0x9  }
0xb1: {  	_ =	task.clear_ibuf [dreg:s7], $0x5FFFF;
	_ =	strace $0x90000046  }
0xb2: {  	s29 =	simm.s32 $0x9;
	_ =	strace $0x80000048  }
0xb3: {  	_ =	swait.ge [sflag:s29], $0x1  }
0xb4: {  	[sflag:s29] =	ssyncadd.s32 $0xFFFFFFFF  }
0xb5: {  	_ =	strace $0x90000048  }
0xb6: {  	_ =	sfence  }
0xb7: {  	s30 =	sld [smem:$0x0];
	_ =	sdelay $0x2  }
0xb8: {  	s31 =	sshll.u32 s1, $0xD;
	s1 =	sshrl.u32 s1, $0x2  }
0xb9: {  	s3 =	sand.u32 $0x4000, s31;
	s1 =	sadd.s32 s1, s30  }
0xba: {  	s0 =	sor.u32 s3, s0;
	s1 =	sshll.u32 s1, $0x11  }
0xbb: {  	s0 =	sor.u32 s1, s0  }
0xbc: {  	s0 =	sadd.s32 $0x8F2B, s0  }
0xbd: {  	[sflag:s0] =	ssyncadd.remote.s32 $0x1  }
0xbe: {  	_ =	sfence.sel $0xFFFF  }
0xbf: {  	[dreg:$0x0] =	wrdreg $0xFFFFFFFF;
	(pc) =	sbr.abs _section_cstart, $3  }
0xc0: {  	[dreg:$0x1] =	wrdreg $0xFFFFFFFF  }
0xc1: {  	_ =	task.clear_ibuf [dreg:s7], $0x2FFFF;
	_ =	strace $0x9FFFFFFF  }
0xc2: {  	(tm) =	ssettm $0x7FFFFFFF  }
0xc3: {  	_ =	shalt  }
tec
execute0_lowered:
.L_overlay_start_1:
0x0: {  	(tag) =	ssettag $0x1  }
0x1: {  	s4 =	rddreg [dreg:$0x0]  }
0x2: {  	s2 =	rddreg [dreg:$0x1]  }
0x3: {  	v0 =	vimm.s32 $0xFEDCBA98;
	v1 =	vimm.s32 $0x76543210;
	s0 =	rddreg [dreg:$0x2];
	s3 =	simm.s32 $0x0  }
0x4: {  	s1 =	stileid.u32;
	s5 =	srdreg.scid;
	v2 =	vimm.s32 $0xBA98FEDC;
	v3 =	vimm.s32 $0x32107654;
	v4 =	vimm.s32 $0xDCFE98BA;
	s9 =	simm.s32 $0x1  }
0x5: {  	v5 =	vimm.s32 $0x54761032;
	v6 =	vimm.s32 $0xEFCDAB89;
	s10 =	simm.s32 $0x8080;
	s11 =	simm.s32 $0x8100;
	s12 =	simm.s32 $0x0  }
0x6: {  	v7 =	vimm.s32 $0x67452301;
	v0 =	vunpack.c.l.s4.s8 v0;
	v1 =	vunpack.c.l.s4.s8 v1;
	[smem:$0x7FF] =	sst s3;
	s6 =	sshll.u32 s1, $0x8;
	s5 =	sand.u32 $0x1, s5  }
0x7: {  	s7 =	sshrl.u32 s1, $0x2;
	v2 =	vunpack.c.l.s4.s8 v2;
	v3 =	vunpack.c.l.s4.s8 v3;
	v4 =	vunpack.c.l.s4.s8 v4;
	s6 =	sand.u32 $0x300, s6;
	s8 =	sshll.u32 s5, $0x7  }
0x8: {  	v5 =	vunpack.c.l.s4.s8 v5;
	v6 =	vunpack.c.l.s4.s8 v6;
	v7 =	vunpack.c.l.s4.s8 v7;
	s29 =	sshll.u32 s7, $0x11;
	s7 =	sshll.u32 s7, $0xA;
	s6 =	sor.u32 s8, s6  }
0x9: {  	_ =	strace $0x80000047;
	v0 =	vunpack.c.0.s8.s32 v0;
	v1 =	vunpack.c.0.s8.s32 v1;
	v2 =	vunpack.c.0.s8.s32 v2;
	s8 =	sor.u32 s29, s6;
	s6 =	sor.u32 s7, s6  }
0xa: {  	s5 =	ssub.s32 $0x2, s5;
	v3 =	vunpack.c.0.s8.s32 v3;
	v4 =	vunpack.c.0.s8.s32 v4;
	v5 =	vunpack.c.0.s8.s32 v5;
	s30 =	sshrl.u32 s8, $0x3;
	s6 =	sshrl.u32 s6, $0x3  }
0xb: {  	s31 =	sshrl.u32 s5, $0x1;
	v6 =	vunpack.c.0.s8.s32 v6;
	v7 =	vunpack.c.0.s8.s32 v7;
	v0 =	vand.u32 $0xF, v0;
	s7 =	sadd.s32 s30, s4;
	s6 =	sadd.s32 s6, s4  }
0xc: {  	s8 =	ssub.s32 s5, s31;
	v0 =	vcombine.low v0, v1;
	v1 =	vcombine.low v3, v2;
	s4 =	sadd.s32 $0x1200, s7;
	s5 =	sadd.s32 $0x11200, s6  }
0xd: {  	v2 =	vcombine.low v5, v4;
	v3 =	vcombine.low v7, v6;
	s6 =	sadd.s32 $0x11400, s6;
	s7 =	smax.u32 s8, $0x1;
	s8 =	simm.s32 $0x3  }
.LBB2_1:
0xe: {  	[tilespmem:s3], [sflag:$0x3] =	stream.linear.gather [hbm4b:s2+s3], $0x80, $0x38;
	[tilespmem:$0x8180] =	vst v63  }
0xf: {  	_ =	swait.ge [sflag:s8], $0x80  }
0x10: {  	[sflag:s8] =	ssyncset.done $0x0  }
0x11: {  	[sflag:s8] =	ssyncadd.s32 $0xFFFFFF80  }
0x12: {  	v8 =	vld [tilespmem:$0x0]  }
0x13: {  	v10 =	vld [tilespmem:$0x10]  }
0x14: {  	v11 =	vld [tilespmem:$0x20]  }
0x15: {  	v13 =	vld [tilespmem:$0x30]  }
0x16: {  	v15 =	vld [tilespmem:$0x40]  }
0x17: {  	v6 =	vld [tilespmem:$0x50]  }
0x18: {  	s13 =	simm.s32 $0x80;
	v5 =	vld [tilespmem:$0x60]  }
0x19: {  	s14 =	simm.s32 $0x80;
	s16 =	sadd.s32 $0x0, s4;
	s15 =	simm.s32 $0x180;
	v7 =	vld [tilespmem:$0x70]  }
.LBB2_2:
0x1a: {  	[tilespmem:s13], [sflag:$0x1] =	stream.linear.gather [hbm4b:s16+s3], $0x80, $0x38;
	[tilespmem:$0x8180] =	vst v63  }
0x1b: {  	s16 =	smov.u32 s14;
	s13 =	smov.u32 s15;
	p0 =	sne.s32 s14, $0x3F80  }
.Ltmp0:
0x1c: {  	s14 =	sadd.s32 $0x80, s14;
	(pc) =	sbr.rel @p0 .LBB2_2-.Ltmp0, $2  }
0x1d: {  	_ =	sdelay $0x2  }
0x1e: {  	s15 =	sadd.s32 $0x100, s15;
	s16 =	sadd.s32 s16, s4  }
0x1f: {  	[tilespmem:s13], [sflag:$0x1] =	stream.linear.gather [hbm4b:s16+s3], $0x80, $0x38;
	[tilespmem:$0x8180] =	vst v63  }
0x20: {  	_ =	swait.ge [sflag:s9], $0x4000  }
0x21: {  	[sflag:s9] =	ssyncset.done $0x0  }
0x22: {  	s30 =	simm.s32 $0x0;
	[sflag:s9] =	ssyncadd.s32 $0xFFFFC000  }
0x23: {  	v39 =	vld [tilespmem:s30+$0x90]  }
0x24: {  	v12 =	vld [tilespmem:s30+$0x80];
	_ =	sdelay $0x1  }
0x25: {  	v9 =	vld [tilespmem:s30+$0xA0];
	_ =	sdelay $0x1  }
0x26: {  	v34 =	vld [tilespmem:s30+$0xB0]  }
0x27: {  	v4 =	vmul.f32 v39, v10;
	v14 =	vmul.f32 v12, v8  }
0x28: {  	v19 =	vld [tilespmem:s30+$0xC0]  }
0x29: {  	v16 =	vmul.f32 v9, v11;
	v4 =	vadd.f32 v4, v14  }
0x2a: {  	v18 =	vld [tilespmem:s30+$0xD0]  }
0x2b: {  	v14 =	vmul.f32 v34, v13;
	v4 =	vadd.f32 v16, v4  }
0x2c: {  	v24 =	vld [tilespmem:s30+$0xE0]  }
0x2d: {  	v16 =	vmul.f32 v19, v15;
	v4 =	vadd.f32 v14, v4  }
0x2e: {  	s14 =	simm.s32 $0x100;
	v41 =	vld [tilespmem:s30+$0xF0]  }
0x2f: {  	v17 =	vmul.f32 v18, v6;
	v14 =	vld [tilespmem:s14+$0x90];
	v16 =	vadd.f32 v16, v4  }
0x30: {  	v4 =	vld [tilespmem:s14+$0x80]  }
0x31: {  	v20 =	vmul.f32 v24, v5;
	v17 =	vadd.f32 v17, v16  }
0x32: {  	v16 =	vld [tilespmem:s14+$0xA0]  }
0x33: {  	v21 =	vmul.f32 v41, v7;
	v20 =	vadd.f32 v20, v17  }
0x34: {  	v17 =	vld [tilespmem:s14+$0xB0]  }
0x35: {  	v22 =	vmul.f32 v14, v10;
	v23 =	vmul.f32 v4, v8;
	v21 =	vadd.f32 v21, v20  }
0x36: {  	v20 =	vld [tilespmem:s14+$0xC0]  }
0x37: {  	v25 =	vmul.f32 v16, v11;
	v23 =	vadd.f32 v22, v23;
	v26 =	vperm.xlane v21, v0  }
0x38: {  	v22 =	vld [tilespmem:s14+$0xD0]  }
0x39: {  	v23 =	vadd.f32 v25, v23;
	v25 =	vmul.f32 v17, v13;
	v21 =	vadd.f32 v21, v26  }
0x3a: {  	v26 =	vld [tilespmem:s14+$0xE0]  }
0x3b: {  	v27 =	vmul.f32 v20, v15;
	v23 =	vadd.f32 v25, v23;
	v25 =	vperm.xlane v21, v1  }
0x3c: {  	s31 =	simm.s32 $0x200;
	v29 =	vld [tilespmem:s14+$0xF0]  }
0x3d: {  	v28 =	vmul.f32 v22, v6;
	v23 =	vadd.f32 v27, v23;
	v30 =	vadd.f32 v21, v25;
	v21 =	vld [tilespmem:s31+$0x90]  }
0x3e: {  	v25 =	vld [tilespmem:s31+$0x80]  }
0x3f: {  	v23 =	vadd.f32 v28, v23;
	v28 =	vmul.f32 v26, v5  }
0x40: {  	v27 =	vperm.xlane v30, v2  }
0x41: {  	v31 =	vmul.f32 v29, v7;
	v28 =	vadd.f32 v28, v23  }
0x42: {  	v32 =	vld [tilespmem:s31+$0xA0];
	v27 =	vadd.f32 v30, v27  }
0x43: {  	v38 =	vld [tilespmem:s31+$0xC0];
	v31 =	vadd.f32 v31, v28;
	v28 =	vmul.f32 v21, v10;
	v33 =	vmul.f32 v25, v8  }
0x44: {  	s13 =	simm.s32 $0x300;
	v23 =	vld [tilespmem:s31+$0xB0]  }
0x45: {  	v30 =	vperm.xlane v27, v3;
	v37 =	vadd.f32 v28, v33;
	v28 =	vld [tilespmem:s13+$0x80]  }
0x46: {  	v35 =	vperm.xlane v31, v0;
	v33 =	vld [tilespmem:s31+$0xD0]  }
0x47: {  	v36 =	vmul.f32 v32, v11;
	v30 =	vadd.f32 v27, v30;
	v27 =	vld [tilespmem:s13+$0x90]  }
0x48: {  	v42 =	vadd.f32 v31, v35;
	v35 =	vld [tilespmem:s31+$0xE0]  }
0x49: {  	v31 =	vmul.f32 v23, v13;
	v36 =	vadd.f32 v36, v37;
	v37 =	vld [tilespmem:s31+$0xF0];
	v40 =	vmul.f32 $1.442695020e+00, v30  }
0x4a: {  	v30 =	vld [tilespmem:s13+$0xA0]  }
0x4b: {  	v56 =	vperm.xlane v42, v1;
	v43 =	vadd.f32 v31, v36;
	v31 =	vld [tilespmem:s13+$0xB0];
	(erf) = vpow2.f32 v40  }
0x4c: {  	v57 =	vmul.f32 v38, v15;
	v36 =	vld [tilespmem:s13+$0xC0];
	v45 =	vmul.f32 v28, v8  }
0x4d: {  	v46 =	vmul.f32 v33, v6;
	v42 =	vadd.f32 v42, v56;
	v44 =	vmul.f32 v27, v10  }
0x4e: {  	v40 =	vadd.f32 v57, v43;
	v59 =	vmul.f32 v35, v5;
	v62 =	vmul.f32 v37, v7  }
0x4f: {  	v43 =	vimm.f32 $0.0e+00;
	v58 =	vperm.xlane v42, v2;
	v47 =	vmul.f32 v30, v11  }
0x50: {  	v44 =	vadd.f32 v44, v45;
	v40 =	vadd.f32 v46, v40;
	v46 =	vimm.f32 $0.0e+00  }
0x51: {  	v61 =	vmul.f32 v31, v13;
	v49 =	vmul.f32 v36, v15;
	v42 =	vadd.f32 v42, v58  }
0x52: {  	v60 =	vadd.f32 v47, v44;
	v45 =	vadd.f32 v59, v40;
	v40 =	vimm.f32 $0.0e+00  }
0x53: {  	v47 =	vimm.f32 $0.0e+00;
	v44 =	vimm.f32 $0.0e+00;
	v63 =	vperm.xlane v42, v3  }
0x54: {  	v50 =	vadd.f32 v61, v60;
	v53 =	vadd.f32 v62, v45;
	v45 =	vimm.f32 $0.0e+00;
	v48 =	vpop (erf)  }
0x55: {  	v54 =	vadd.f32 v42, v63;
	v42 =	vimm.f32 $0.0e+00;
	v52 =	vmul.f32 v48, v41  }
0x56: {  	s14 =	simm.s32 $0x1000;
	v51 =	vmul.f32 v48, v39;
	v39 =	vadd.f32 v48, v40;
	v41 =	vimm.f32 $0.0e+00  }
.LBB2_4:
0x57: {  	v56 =	vperm.xlane v53, v0;
	v57 =	vmul.f32 v48, v24;
	v40 =	vadd.f32 v52, v40;
	v58 =	vmovc v21  }
0x58: {  	s15 =	sshra.s32 s14, $0x2;
	p0 =	sne.s32 s14, $0x1FC00;
	s14 =	sadd.s32 $0x400, s14;
	v55 =	vld [tilespmem:s13+$0xD0];
	v21 =	vmovc v27;
	v24 =	vmovc v26;
	v26 =	vmov v35;
	v59 =	vmov v37;
	v52 =	vmov v36  }
0x59: {  	v36 =	vmul.f32 v48, v19;
	v19 =	vmovc v20;
	v20 =	vmovc v38;
	v27 =	vld [tilespmem:s15+$0x90];
	v35 =	vmul.f32 $1.442695020e+00, v54;
	v47 =	vadd.f32 v51, v47  }
0x5a: {  	v34 =	vmul.f32 v48, v34;
	v37 =	vmul.f32 v48, v18;
	v18 =	vmovc v22;
	v38 =	vld [tilespmem:s15+$0x80];
	v51 =	vadd.f32 v53, v56  }
0x5b: {  	v22 =	vmovc v33;
	v54 =	vmul.f32 v48, v9;
	v9 =	vmovc v16;
	v44 =	vadd.f32 v36, v44;
	v53 =	vld [tilespmem:s15+$0xA0];
	(erf) = vpow2.f32 v35  }
0x5c: {  	v16 =	vmovc v32;
	v45 =	vadd.f32 v34, v45;
	v46 =	vadd.f32 v37, v46;
	v35 =	vld [tilespmem:s13+$0xE0];
	v36 =	vperm.xlane v51, v1  }
0x5d: {  	v60 =	vmul.f32 v48, v12;
	v42 =	vadd.f32 v57, v42;
	v41 =	vadd.f32 v54, v41;
	v37 =	vld [tilespmem:s13+$0xF0];
	v33 =	vmovc v55;
	s13 =	smov.u32 s15  }
0x5e: {  	v12 =	vmovc v4;
	v48 =	vld [tilespmem:s13+$0xB0];
	v34 =	vmul.f32 v27, v10;
	v54 =	vmul.f32 v33, v6;
	v51 =	vadd.f32 v51, v36  }
0x5f: {  	v49 =	vadd.f32 v49, v50;
	v4 =	vmovc v25;
	v43 =	vadd.f32 v60, v43;
	v36 =	vld [tilespmem:s13+$0xC0];
	v55 =	vmul.f32 v38, v8  }
0x60: {  	v25 =	vmovc v28;
	v32 =	vmovc v30;
	v28 =	vmov v38;
	v50 =	vmul.f32 v53, v11;
	v56 =	vperm.xlane v51, v2  }
0x61: {  	v49 =	vadd.f32 v54, v49;
	v30 =	vmovc v53;
	v57 =	vadd.f32 v34, v55;
	v54 =	vmul.f32 v35, v5  }
.Ltmp1:
0x62: {  	v53 =	vmul.f32 v37, v7;
	v51 =	vadd.f32 v51, v56;
	v34 =	vmovc v17;
	v17 =	vmovc v23;
	v23 =	vmov v31;
	(pc) =	sbr.rel @p0 .LBB2_4-.Ltmp1, $4  }
0x63: {  	v50 =	vadd.f32 v50, v57;
	v55 =	vmul.f32 v48, v13;
	v54 =	vadd.f32 v54, v49;
	v31 =	vmovc v48  }
0x64: {  	v38 =	vmov v52;
	v49 =	vmul.f32 v36, v15;
	v56 =	vperm.xlane v51, v3;
	v48 =	vpop (erf)  }
0x65: {  	v50 =	vadd.f32 v55, v50;
	v53 =	vadd.f32 v53, v54;
	v52 =	vmul.f32 v48, v29;
	v29 =	vmovc v59  }
0x66: {  	v39 =	vadd.f32 v48, v39;
	v54 =	vadd.f32 v51, v56;
	v51 =	vmul.f32 v48, v14;
	v14 =	vmovc v58  }
0x67: {  	v8 =	vld [tilespmem:s13+$0xD0];
	_ =	sdelay $0x1  }
0x68: {  	v10 =	vld [tilespmem:s13+$0xE0];
	_ =	sdelay $0x1  }
0x69: {  	v11 =	vld [tilespmem:s13+$0xF0]  }
0x6a: {  	v13 =	vadd.f32 v49, v50;
	v6 =	vmul.f32 v8, v6;
	_ =	sdelay $0x1  }
0x6b: {  	v5 =	vmul.f32 v10, v5;
	v6 =	vadd.f32 v6, v13;
	_ =	sdelay $0x1  }
0x6c: {  	v7 =	vmul.f32 v11, v7;
	v5 =	vadd.f32 v5, v6  }
0x6d: {  	v56 =	vperm.xlane v53, v0  }
0x6e: {  	v5 =	vadd.f32 v7, v5  }
0x6f: {  	v6 =	vadd.f32 v53, v56  }
0x70: {  	v7 =	vperm.xlane v5, v0  }
0x71: {  	v57 =	vperm.xlane v6, v1  }
0x72: {  	v5 =	vadd.f32 v5, v7  }
0x73: {  	v6 =	vadd.f32 v6, v57  }
0x74: {  	v7 =	vperm.xlane v5, v1  }
0x75: {  	v13 =	vperm.xlane v6, v2  }
0x76: {  	v5 =	vadd.f32 v5, v7  }
0x77: {  	v6 =	vadd.f32 v6, v13  }
0x78: {  	v59 =	vperm.xlane v5, v2  }
0x79: {  	v58 =	vmul.f32 $1.442695020e+00, v54;
	v15 =	vperm.xlane v6, v3  }
0x7a: {  	v5 =	vadd.f32 v5, v59  }
0x7b: {  	(erf) = vpow2.f32 v58;
	v6 =	vadd.f32 v6, v15  }
0x7c: {  	v60 =	vperm.xlane v5, v3  }
0x7d: {  	v6 =	vmul.f32 $1.442695020e+00, v6  }
0x7e: {  	v5 =	vadd.f32 v5, v60  }
0x7f: {  	(erf) = vpow2.f32 v6  }
0x80: {  	v5 =	vmul.f32 $1.442695020e+00, v5  }
0x81: {  	v61 =	vmul.f32 v48, v24  }
0x82: {  	v62 =	vmul.f32 v48, v19;
	v34 =	vmul.f32 v48, v34  }
0x83: {  	v18 =	vmul.f32 v48, v18;
	v9 =	vmul.f32 v48, v9  }
0x84: {  	v63 =	vadd.f32 v52, v40;
	v12 =	vmul.f32 v48, v12;
	(erf) = vpow2.f32 v5;
	v5 =	vpop (erf)  }
0x85: {  	v40 =	vadd.f32 v51, v47;
	v9 =	vadd.f32 v9, v41;
	v41 =	vmul.f32 v5, v29  }
0x86: {  	v19 =	vadd.f32 v34, v45;
	v14 =	vmul.f32 v5, v14;
	v26 =	vmul.f32 v5, v26  }
0x87: {  	v12 =	vadd.f32 v12, v43;
	v20 =	vmul.f32 v5, v20;
	v17 =	vmul.f32 v5, v17  }
0x88: {  	v15 =	vadd.f32 v62, v44;
	v22 =	vmul.f32 v5, v22;
	v43 =	vmul.f32 v5, v16;
	v44 =	vpop (erf)  }
0x89: {  	v18 =	vadd.f32 v18, v46;
	v4 =	vmul.f32 v5, v4;
	v45 =	vmul.f32 v44, v37  }
0x8a: {  	v13 =	vadd.f32 v61, v42;
	v46 =	vmul.f32 v44, v21;
	v47 =	vmul.f32 v44, v35  }
0x8b: {  	v42 =	vadd.f32 v5, v39;
	v48 =	vmul.f32 v44, v25;
	v49 =	vmul.f32 v44, v38  }
0x8c: {  	v50 =	vmul.f32 v44, v23;
	v7 =	vadd.f32 v41, v63;
	v6 =	vadd.f32 v14, v40  }
0x8d: {  	v52 =	vmul.f32 v44, v32;
	v15 =	vadd.f32 v20, v15;
	v4 =	vadd.f32 v4, v12  }
0x8e: {  	v54 =	vmul.f32 v44, v33;
	v17 =	vadd.f32 v17, v19;
	v18 =	vadd.f32 v22, v18;
	v51 =	vpop (erf)  }
0x8f: {  	v5 =	vadd.f32 v43, v9;
	v4 =	vadd.f32 v48, v4;
	v53 =	vmul.f32 v51, v28  }
0x90: {  	v13 =	vadd.f32 v26, v13;
	v6 =	vadd.f32 v46, v6;
	v55 =	vmul.f32 v51, v27  }
0x91: {  	v5 =	vadd.f32 v52, v5;
	v56 =	vmul.f32 v51, v30;
	v4 =	vadd.f32 v53, v4  }
0x92: {  	v17 =	vadd.f32 v50, v17;
	v57 =	vmul.f32 v51, v31;
	v6 =	vadd.f32 v55, v6  }
0x93: {  	v15 =	vadd.f32 v49, v15;
	v58 =	vmul.f32 v51, v36;
	v5 =	vadd.f32 v56, v5;
	[tilespmem:$0x8080] =	vst v4  }
0x94: {  	v60 =	vadd.f32 v47, v13;
	v10 =	vmul.f32 v51, v10;
	v59 =	vadd.f32 v57, v17;
	[tilespmem:$0x8090] =	vst v6  }
0x95: {  	v8 =	vmul.f32 v51, v8;
	v61 =	vadd.f32 v58, v15;
	v4 =	vadd.f32 v54, v18;
	[tilespmem:$0x80A0] =	vst v5  }
0x96: {  	v62 =	vmul.f32 v51, v11;
	v5 =	vadd.f32 v45, v7;
	[tilespmem:$0x80B0] =	vst v59;
	v6 =	vadd.f32 v10, v60  }
0x97: {  	v63 =	vadd.f32 v44, v42;
	[tilespmem:$0x80C0] =	vst v61;
	v4 =	vadd.f32 v8, v4  }
0x98: {  	v5 =	vadd.f32 v62, v5;
	[tilespmem:$0x80E0] =	vst v6  }
0x99: {  	[tilespmem:$0x80D0] =	vst v4;
	v4 =	vadd.f32 v51, v63  }
0x9a: {  	[tilespmem:$0x80F0] =	vst v5  }
0x9b: {  	[tilespmem:$0x8100] =	vst v4  }
0x9c: {  	[tilespmem:$0x8110] =	vst v4  }
0x9d: {  	[tilespmem:$0x8120] =	vst v4  }
0x9e: {  	[tilespmem:$0x8130] =	vst v4  }
0x9f: {  	[tilespmem:$0x8140] =	vst v4  }
0xa0: {  	[tilespmem:$0x8150] =	vst v4  }
0xa1: {  	[tilespmem:$0x8160] =	vst v4  }
0xa2: {  	[tilespmem:$0x8170] =	vst v4  }
0xa3: {  	[hbm4b:s5+s3] =	stream.linear.scatter [tilespmem:s10], [sflag:$0x3], $0x80, $0x38;
	[tilespmem:$0x8180] =	vst v63  }
0xa4: {  	s12 =	sadd.s32 $0x1, s12;
	_ =	swait.ge [sflag:s8], $0x80  }
0xa5: {  	p0 =	sne.s32 s12, s7;
	[sflag:s8] =	ssyncset.done $0x0  }
.Ltmp2:
0xa6: {  	[sflag:s8] =	ssyncadd.s32 $0xFFFFFF80;
	(pc) =	sbr.rel @p0 .LBB2_1-.Ltmp2, $4  }
0xa7: {  	[hbm4b:s6+s3] =	stream.linear.scatter [tilespmem:s11], [sflag:$0x3], $0x80, $0x38;
	[tilespmem:$0x8180] =	vst v63  }
0xa8: {  	_ =	swait.ge [sflag:s8], $0x80  }
0xa9: {  	[sflag:s8] =	ssyncset.done $0x0  }
0xaa: {  	[sflag:s8] =	ssyncadd.s32 $0xFFFFFF80  }
0xab: {  	_ =	sfence.sel $0x180000  }
0xac: {  	[bflag:$0x0] =	sbarrier.arrive $0xFFFF  }
0xad: {  	p0 =	sne.s32 s1, $0x0;
	_ =	strace $0x90000047  }
0xae: {  	s0 =	sadd.s32 @!p0 $0x100000, s0;
	[bflag:$0x2] =	sbarrier.arrive $0xFFFF  }
0xaf: {  	[sflag:s0] =	ssyncadd.tile.s32 @!p0 $0x1;
	_ =	shalt  }
.Lfunc_end2:
_tile_overlayer_lowered:
.L_overlay_start_2:
0xb0: {  	(tag) =	ssettag $0x2  }
0xb1: {  	s0 =	rddreg [dreg:$0x0];
	s2 =	stileid.u32  }
0xb2: {  	s1 =	rddreg [dreg:$0x1];
	p0 =	sne.s32 s2, $0x0  }
0xb3: {  	s3 =	rddreg [dreg:$0x2];
	[bflag:$0x3] =	sbarrier.arrive $0xFFFF;
	s2 =	simm.s32 @!p0 $0x1C03  }
0xb4: {  	[timem:s3], [sflag:s2] =	dma.local @!p0 [hbm:s0], s1  }
0xb5: {  	s0 =	simm.s32 @!p0 $0x3  }
0xb6: {  	_ =	swait.ge @!p0 [sflag:s0], s1  }
0xb7: {  	s1 =	ssub.s32 @!p0 $0x0, s1;
	[sflag:s0] =	ssyncset.done @!p0 $0x0  }
0xb8: {  	[sflag:s0] =	ssyncadd.s32 @!p0 s1  }
0xb9: {  	[bflag:$0x3] =	sbarrier.arrive $0xFFFF  }
0xba: {  	_ =	shalt  }

</sc_bundles>
